<compile_context>
chip_gen: v7x
topology: tpu7x:2x2x1
jax: 0.10.2.dev20260603
libtpu: 0.0.44.dev20260713+nightly
codegen_flags: <defaults>
</compile_context>

<pallas_src>
import functools

import jax
import jax.numpy as jnp
from jax import lax
from jax.experimental import pallas as pl
from jax.experimental.pallas import tpu as pltpu
from jax.experimental.pallas import tpu_sc as plsc

V = 1_000_000
D = 16
GROUPS = 8
VROWS = V // GROUPS
BLK = 5000
GRID = VROWS // BLK

B_TOTAL = 16384 * 50
NW = 32
PER_W = B_TOTAL // NW
CHUNK = 1024
NCHUNK = PER_W // CHUNK


def _score_body(e0, e1, e2, wref, bref, qref, s_ref):
    i = pl.program_id(0)

    @pl.when(i == 0)
    def _init():
        s_ref[0] = 0.0
        s_ref[1] = 0.0
        s_ref[2] = 0.0

    w = wref[...]
    bvec = bref[...]
    qvec = qref[...]
    for k, e in enumerate((e0, e1, e2)):
        x = e[...].reshape(BLK, 128)
        h = jnp.tanh(jnp.dot(x, w, preferred_element_type=jnp.float32) + bvec)
        s_ref[k] += jnp.sum(h * qvec)


def _scores(e0f, e1f, e2f, wb, bb, qb):
    blk = pl.BlockSpec((BLK * 128,), lambda i: (i,))
    return pl.pallas_call(
        _score_body,
        grid=(GRID,),
        in_specs=[
            blk,
            blk,
            blk,
            pl.BlockSpec((128, 128), lambda i: (0, 0)),
            pl.BlockSpec((1, 128), lambda i: (0, 0)),
            pl.BlockSpec((1, 128), lambda i: (0, 0)),
        ],
        out_specs=pl.BlockSpec(memory_space=pltpu.SMEM),
        out_shape=jax.ShapeDtypeStruct((3,), jnp.float32),
    )(e0f, e1f, e2f, wb, bb, qb)


def _gather_combine(e0, e1, e2, idx, scores_b):
    mesh = plsc.VectorSubcoreMesh(core_axis_name="c", subcore_axis_name="s")

    @functools.partial(
        pl.kernel,
        mesh=mesh,
        compiler_params=pltpu.CompilerParams(use_tc_tiling_on_sc=False),
        out_type=jax.ShapeDtypeStruct((B_TOTAL * D // 128, 128), jnp.float32),
        scratch_types=[
            pltpu.VMEM((CHUNK,), jnp.int32),
            pltpu.VMEM((CHUNK, D), jnp.float32),
            pltpu.VMEM((CHUNK, D), jnp.float32),
            pltpu.VMEM((CHUNK, D), jnp.float32),
            pltpu.VMEM((CHUNK * D // 128, 128), jnp.float32),
            pltpu.VMEM((3 * D,), jnp.float32),
            pltpu.SemaphoreType.DMA,
            pltpu.SemaphoreType.DMA,
            pltpu.SemaphoreType.DMA,
        ],
    )
    def k(e0_h, e1_h, e2_h, idx_h, sb_h, out_h,
          idx_v, r0, r1, r2, rflat, sv, sem0, sem1, sem2):
        wid = lax.axis_index("s") * 2 + lax.axis_index("c")
        pltpu.sync_copy(sb_h, sv)
        s0 = sv[pl.ds(0, D)] * (1.0 / V)
        s1 = sv[pl.ds(D, D)] * (1.0 / V)
        s2 = sv[pl.ds(2 * D, D)] * (1.0 / V)
        m = jnp.maximum(s0, jnp.maximum(s1, s2))
        x0 = jnp.exp(s0 - m)
        x1 = jnp.exp(s1 - m)
        x2 = jnp.exp(s2 - m)
        tot = x0 + x1 + x2
        b0 = x0 / tot
        b1 = x1 / tot
        b2 = x2 / tot

        def chunk(c, carry):
            base = wid * PER_W + c * CHUNK
            pltpu.sync_copy(idx_h.at[pl.ds(base, CHUNK)], idx_v)
            cp0 = pltpu.async_copy(e0_h.at[idx_v], r0, sem0)
            cp1 = pltpu.async_copy(e1_h.at[idx_v], r1, sem1)
            cp2 = pltpu.async_copy(e2_h.at[idx_v], r2, sem2)
            cp0.wait()
            cp1.wait()
            cp2.wait()

            def row(i, cc):
                rflat[i // 8, pl.ds((i % 8) * D, D)] = (
                    r0[i, :] * b0 + r1[i, :] * b1 + r2[i, :] * b2
                )
                return cc

            lax.fori_loop(0, CHUNK, row, 0, unroll=8)
            pltpu.sync_copy(rflat, out_h.at[pl.ds(base * D // 128, CHUNK * D // 128)])
            return carry

        lax.fori_loop(0, NCHUNK, chunk, 0)

    return k(e0, e1, e2, idx, scores_b)


def kernel(batch_ques, emb0, emb1, emb2, W, b, q):
    wb = jnp.kron(jnp.eye(GROUPS, dtype=W.dtype), W)
    bb = jnp.tile(b, GROUPS)[None, :]
    qb = jnp.tile(q, GROUPS)[None, :]
    scores = _scores(emb0.reshape(-1), emb1.reshape(-1), emb2.reshape(-1),
                     wb, bb, qb)
    scores_b = jnp.broadcast_to(scores[:, None], (3, D)).reshape(3 * D)
    idx = batch_ques.reshape(-1).astype(jnp.int32)
    out = _gather_combine(emb0, emb1, emb2, idx, scores_b)
    return out.reshape(batch_ques.shape + (D,))

# --- scband reference (transcript-rebuilt; emitter-appended) ---
"""Pipeline reference for scband-pre-emb-61546881351791 (READ-ONLY COPY).

The authoritative reference and input builder live on the scoring server;
editing this copy changes nothing except your own understanding.
"""

import jax, jax.numpy as jnp
import numpy as np

VOCAB = 1000000
EMB_DIM = 16
NUM_MP = 3
BATCH = 16384
HIST = 50

def setup_inputs(seed: int = 0) -> dict:
    key = jax.random.key(seed)
    ks = jax.random.split(key, 8)
    inp = {}
    inp["batch_ques"] = jax.random.randint(ks[0], (BATCH, HIST), 0, VOCAB, dtype=jnp.int64 if jax.config.jax_enable_x64 else jnp.int32)
    # Pre-trained embedding matrices, one per meta-path (loaded from .npy in the original)
    inp["emb0"] = jax.random.normal(ks[1], (VOCAB, EMB_DIM), dtype=jnp.float32) * 0.1
    inp["emb1"] = jax.random.normal(ks[2], (VOCAB, EMB_DIM), dtype=jnp.float32) * 0.1
    inp["emb2"] = jax.random.normal(ks[3], (VOCAB, EMB_DIM), dtype=jnp.float32) * 0.1
    # Semantic attention (attnVec_nonLinear / HAN-style) parameters
    inp["W"] = jax.random.normal(ks[4], (EMB_DIM, EMB_DIM), dtype=jnp.float32) * (1.0 / np.sqrt(EMB_DIM))
    inp["b"] = jnp.zeros((EMB_DIM,), dtype=jnp.float32)
    inp["q"] = jax.random.normal(ks[5], (EMB_DIM,), dtype=jnp.float32) * (1.0 / np.sqrt(EMB_DIM))
    return inp

def reference(batch_ques, emb0, emb1, emb2, W, b, q):
    embs = [emb0, emb1, emb2]
    # semantic attention over meta-paths: w_mp = mean_n q^T tanh(W e_n + b)
    scores = []
    for E in embs:
        h = jnp.tanh(E @ W + b)          # [V, d]
        s = jnp.mean(h @ q)              # scalar per meta-path
        scores.append(s)
    beta = jax.nn.softmax(jnp.stack(scores))  # [NUM_MP]
    whole_ques_embedding = jnp.zeros_like(embs[0])
    for i, E in enumerate(embs):
        whole_ques_embedding = whole_ques_embedding + beta[i] * E
    # F.embedding(batch_ques, whole_ques_embedding)
    batch_ques_embedding = jnp.take(whole_ques_embedding, batch_ques, axis=0)
    return batch_ques_embedding

if __name__ == "__main__":
    import jax
    _d = setup_inputs()
    print(jax.jit(kernel)(*tuple(_d.values())))

</pallas_src>

<mosaic_0001>
#map = affine_map<(d0, d1) -> (0, 0)>
#map1 = affine_map<(d0, d1) -> (0)>
module attributes {stable_mosaic.version = 14 : i64} {
  func.func @k(%arg0: i32, %arg1: i32, %arg2: memref<1000000x16xf32, #tpu.memory_space<hbm>>, %arg3: memref<1000000x16xf32, #tpu.memory_space<hbm>>, %arg4: memref<1000000x16xf32, #tpu.memory_space<hbm>>, %arg5: memref<819200xi32, #tpu.memory_space<hbm>>, %arg6: memref<48xf32, #tpu.memory_space<hbm>>, %arg7: memref<102400x128xf32, #tpu.memory_space<hbm>>, %arg8: memref<1024xi32, #tpu.memory_space<vmem>>, %arg9: memref<1024x16xf32, #tpu.memory_space<vmem>>, %arg10: memref<1024x16xf32, #tpu.memory_space<vmem>>, %arg11: memref<1024x16xf32, #tpu.memory_space<vmem>>, %arg12: memref<128x128xf32, #tpu.memory_space<vmem>>, %arg13: memref<48xf32, #tpu.memory_space<vmem>>, %arg14: memref<!tpu.dma_semaphore, #tpu.memory_space<semaphore_mem>>, %arg15: memref<!tpu.dma_semaphore, #tpu.memory_space<semaphore_mem>>, %arg16: memref<!tpu.dma_semaphore, #tpu.memory_space<semaphore_mem>>) attributes {dimension_semantics = [#tpu.dimension_semantics<core_parallel>, #tpu.dimension_semantics<subcore_parallel>], iteration_bounds = array<i64: 2, 16>, scalar_prefetch = 0 : i64, scratch_operands = 9 : i64, tpu.core_type = #tpu.core_type<sc_vector_subcore>, window_params = [{transform_indices = #map}, {transform_indices = #map}, {transform_indices = #map}, {transform_indices = #map1}, {transform_indices = #map1}, {transform_indices = #map}]} {
    %mul3A = arith.constant 2 : i32
    %mul3A_0 = arith.muli %arg1, %mul3A : i32
    %add3A = arith.addi %mul3A_0, %arg0 : i32
    "tpu.region"() ({
      %run_scoped3A = tpu.sem_alloc : memref<!tpu.dma_semaphore, #tpu.memory_space<semaphore_mem>>
      tpu.enqueue_dma source(%arg6 : memref<48xf32, #tpu.memory_space<hbm>>) target(%arg13 : memref<48xf32, #tpu.memory_space<vmem>>) target_semaphore(%run_scoped3A : memref<!tpu.dma_semaphore, #tpu.memory_space<semaphore_mem>>)
      tpu.wait_dma2 semaphore(%run_scoped3A : memref<!tpu.dma_semaphore, #tpu.memory_space<semaphore_mem>>) src(%arg6 : memref<48xf32, #tpu.memory_space<hbm>>) dst(%arg13 : memref<48xf32, #tpu.memory_space<vmem>>)
      tpu.yield
    }) : () -> ()
    %get3A = arith.constant 0 : index
    %get3A_1 = tpu.vector_load %arg13[%get3A] {strides = array<i32>} : memref<48xf32, #tpu.memory_space<vmem>>, vector<16xf32>,
    %get3A_2 = vector.shape_cast %get3A_1 : vector<16xf32> to vector<16xf32>
    %mul3A_3 = arith.constant 9.99999997E-7 : f32
    %mul3A_4 = vector.broadcast %mul3A_3 : f32 to vector<16xf32>
    %mul3A_5 = arith.mulf %get3A_2, %mul3A_4 : vector<16xf32>
    %get3A_6 = arith.constant 16 : index
    %get3A_7 = tpu.vector_load %arg13[%get3A_6] {strides = array<i32>} : memref<48xf32, #tpu.memory_space<vmem>>, vector<16xf32>,
    %get3A_8 = vector.shape_cast %get3A_7 : vector<16xf32> to vector<16xf32>
    %mul3A_9 = arith.constant 9.99999997E-7 : f32
    %mul3A_10 = vector.broadcast %mul3A_9 : f32 to vector<16xf32>
    %mul3A_11 = arith.mulf %get3A_8, %mul3A_10 : vector<16xf32>
    %get3A_12 = arith.constant 32 : index
    %get3A_13 = tpu.vector_load %arg13[%get3A_12] {strides = array<i32>} : memref<48xf32, #tpu.memory_space<vmem>>, vector<16xf32>,
    %get3A_14 = vector.shape_cast %get3A_13 : vector<16xf32> to vector<16xf32>
    %mul3A_15 = arith.constant 9.99999997E-7 : f32
    %mul3A_16 = vector.broadcast %mul3A_15 : f32 to vector<16xf32>
    %mul3A_17 = arith.mulf %get3A_14, %mul3A_16 : vector<16xf32>
    %max3A = arith.maximumf %mul3A_11, %mul3A_17 : vector<16xf32>
    %max3A_18 = arith.maximumf %mul3A_5, %max3A : vector<16xf32>
    %sub3A = arith.subf %mul3A_5, %max3A_18 : vector<16xf32>
    %exp3A = math.exp %sub3A : vector<16xf32>
    %sub3A_19 = arith.subf %mul3A_11, %max3A_18 : vector<16xf32>
    %exp3A_20 = math.exp %sub3A_19 : vector<16xf32>
    %sub3A_21 = arith.subf %mul3A_17, %max3A_18 : vector<16xf32>
    %exp3A_22 = math.exp %sub3A_21 : vector<16xf32>
    %add3A_23 = arith.addf %exp3A, %exp3A_20 : vector<16xf32>
    %add3A_24 = arith.addf %add3A_23, %exp3A_22 : vector<16xf32>
    %div3A = arith.divf %exp3A, %add3A_24 : vector<16xf32>
    %div3A_25 = arith.divf %exp3A_20, %add3A_24 : vector<16xf32>
    %div3A_26 = arith.divf %exp3A_22, %add3A_24 : vector<16xf32>
    %scan3A = arith.constant 0 : i32
    %scan3A_27 = arith.constant 0 : i32
    %scan3A_28 = arith.constant 25 : i32
    %scan3A_29 = arith.addi %scan3A_27, %scan3A_28 : i32
    %scan3A_30 = arith.constant 1 : i32
    scf.for %scan3A_32 = %scan3A_27 to %scan3A_29 step %scan3A_30  : i32 {
      %mul3A_33 = arith.constant 25600 : i32
      %mul3A_34 = arith.muli %add3A, %mul3A_33 : i32
      %mul3A_35 = arith.constant 1024 : i32
      %mul3A_36 = arith.muli %scan3A_32, %mul3A_35 : i32
      %add3A_37 = arith.addi %mul3A_34, %mul3A_36 : i32
      "tpu.region"() ({
        %run_scoped3A = tpu.sem_alloc : memref<!tpu.dma_semaphore, #tpu.memory_space<semaphore_mem>>
        %dma_start3A_80 = tpu.memref_slice %arg5[%add3A_37] : memref<819200xi32, #tpu.memory_space<hbm>> -> memref<1024xi32, #tpu.memory_space<hbm>>
        %dma_start3A_81 = tpu.memref_slice %arg5[%add3A_37] : memref<819200xi32, #tpu.memory_space<hbm>> -> memref<1024xi32, #tpu.memory_space<hbm>>
        tpu.enqueue_dma source(%dma_start3A_81 : memref<1024xi32, #tpu.memory_space<hbm>>) target(%arg8 : memref<1024xi32, #tpu.memory_space<vmem>>) target_semaphore(%run_scoped3A : memref<!tpu.dma_semaphore, #tpu.memory_space<semaphore_mem>>)
        %dma_wait3A_82 = tpu.memref_slice %arg5[%add3A_37] : memref<819200xi32, #tpu.memory_space<hbm>> -> memref<1024xi32, #tpu.memory_space<hbm>>
        %dma_wait3A_83 = tpu.memref_slice %arg5[%add3A_37] : memref<819200xi32, #tpu.memory_space<hbm>> -> memref<1024xi32, #tpu.memory_space<hbm>>
        tpu.wait_dma2 semaphore(%run_scoped3A : memref<!tpu.dma_semaphore, #tpu.memory_space<semaphore_mem>>) src(%dma_wait3A_83 : memref<1024xi32, #tpu.memory_space<hbm>>) dst(%arg8 : memref<1024xi32, #tpu.memory_space<vmem>>)
        tpu.yield
      }) : () -> ()
      %dma_start3A = arith.constant 0 : i32
      %dma_start3A_38 = arith.constant 0 : i32
      %dma_start3A_39 = tpu.memref_slice %arg2[%dma_start3A, %dma_start3A_38] : memref<1000000x16xf32, #tpu.memory_space<hbm>> -> memref<1000000x16xf32, #tpu.memory_space<hbm>>
      tpu.enqueue_indirect_dma source(%dma_start3A_39 : memref<1000000x16xf32, #tpu.memory_space<hbm>>) target(%arg9 : memref<1024x16xf32, #tpu.memory_space<vmem>>) offsets(%arg8 : memref<1024xi32, #tpu.memory_space<vmem>>) semaphore(%arg14 : memref<!tpu.dma_semaphore, #tpu.memory_space<semaphore_mem>>)
      %dma_start3A_40 = arith.constant 0 : i32
      %dma_start3A_41 = arith.constant 0 : i32
      %dma_start3A_42 = tpu.memref_slice %arg3[%dma_start3A_40, %dma_start3A_41] : memref<1000000x16xf32, #tpu.memory_space<hbm>> -> memref<1000000x16xf32, #tpu.memory_space<hbm>>
      tpu.enqueue_indirect_dma source(%dma_start3A_42 : memref<1000000x16xf32, #tpu.memory_space<hbm>>) target(%arg10 : memref<1024x16xf32, #tpu.memory_space<vmem>>) offsets(%arg8 : memref<1024xi32, #tpu.memory_space<vmem>>) semaphore(%arg15 : memref<!tpu.dma_semaphore, #tpu.memory_space<semaphore_mem>>)
      %dma_start3A_43 = arith.constant 0 : i32
      %dma_start3A_44 = arith.constant 0 : i32
      %dma_start3A_45 = tpu.memref_slice %arg4[%dma_start3A_43, %dma_start3A_44] : memref<1000000x16xf32, #tpu.memory_space<hbm>> -> memref<1000000x16xf32, #tpu.memory_space<hbm>>
      tpu.enqueue_indirect_dma source(%dma_start3A_45 : memref<1000000x16xf32, #tpu.memory_space<hbm>>) target(%arg11 : memref<1024x16xf32, #tpu.memory_space<vmem>>) offsets(%arg8 : memref<1024xi32, #tpu.memory_space<vmem>>) semaphore(%arg16 : memref<!tpu.dma_semaphore, #tpu.memory_space<semaphore_mem>>)
      %dma_wait3A = arith.constant 0 : i32
      %dma_wait3A_46 = arith.constant 0 : i32
      %dma_wait3A_47 = tpu.memref_slice %arg2[%dma_wait3A, %dma_wait3A_46] : memref<1000000x16xf32, #tpu.memory_space<hbm>> -> memref<1000000x16xf32, #tpu.memory_space<hbm>>
      tpu.wait_indirect_dma semaphore(%arg14 : memref<!tpu.dma_semaphore, #tpu.memory_space<semaphore_mem>>) src(%dma_wait3A_47 : memref<1000000x16xf32, #tpu.memory_space<hbm>>) dst(%arg9 : memref<1024x16xf32, #tpu.memory_space<vmem>>)
      %dma_wait3A_48 = arith.constant 0 : i32
      %dma_wait3A_49 = arith.constant 0 : i32
      %dma_wait3A_50 = tpu.memref_slice %arg3[%dma_wait3A_48, %dma_wait3A_49] : memref<1000000x16xf32, #tpu.memory_space<hbm>> -> memref<1000000x16xf32, #tpu.memory_space<hbm>>
      tpu.wait_indirect_dma semaphore(%arg15 : memref<!tpu.dma_semaphore, #tpu.memory_space<semaphore_mem>>) src(%dma_wait3A_50 : memref<1000000x16xf32, #tpu.memory_space<hbm>>) dst(%arg10 : memref<1024x16xf32, #tpu.memory_space<vmem>>)
      %dma_wait3A_51 = arith.constant 0 : i32
      %dma_wait3A_52 = arith.constant 0 : i32
      %dma_wait3A_53 = tpu.memref_slice %arg4[%dma_wait3A_51, %dma_wait3A_52] : memref<1000000x16xf32, #tpu.memory_space<hbm>> -> memref<1000000x16xf32, #tpu.memory_space<hbm>>
      tpu.wait_indirect_dma semaphore(%arg16 : memref<!tpu.dma_semaphore, #tpu.memory_space<semaphore_mem>>) src(%dma_wait3A_53 : memref<1000000x16xf32, #tpu.memory_space<hbm>>) dst(%arg11 : memref<1024x16xf32, #tpu.memory_space<vmem>>)
      %scan3A_54 = arith.constant 0 : i32
      %scan3A_55 = arith.constant 0 : i32
      %scan3A_56 = arith.constant 1024 : i32
      %scan3A_57 = arith.addi %scan3A_55, %scan3A_56 : i32
      %scan3A_58 = arith.constant 8 : i32
      scf.for %scan3A_80 = %scan3A_55 to %scan3A_57 step %scan3A_58  : i32 {
        %get3A_81 = arith.index_cast %scan3A_80 : i32 to index
        %get3A_82 = arith.constant 0 : index
        %get3A_83 = tpu.vector_load %arg9[%get3A_81, %get3A_82] {strides = array<i32>} : memref<1024x16xf32, #tpu.memory_space<vmem>>, vector<1x16xf32>,
        %get3A_84 = vector.shape_cast %get3A_83 : vector<1x16xf32> to vector<16xf32>
        %mul3A_85 = arith.mulf %get3A_84, %div3A : vector<16xf32>
        %get3A_86 = arith.index_cast %scan3A_80 : i32 to index
        %get3A_87 = arith.constant 0 : index
        %get3A_88 = tpu.vector_load %arg10[%get3A_86, %get3A_87] {strides = array<i32>} : memref<1024x16xf32, #tpu.memory_space<vmem>>, vector<1x16xf32>,
        %get3A_89 = vector.shape_cast %get3A_88 : vector<1x16xf32> to vector<16xf32>
        %mul3A_90 = arith.mulf %get3A_89, %div3A_25 : vector<16xf32>
        %add3A_91 = arith.addf %mul3A_85, %mul3A_90 : vector<16xf32>
        %get3A_92 = arith.index_cast %scan3A_80 : i32 to index
        %get3A_93 = arith.constant 0 : index
        %get3A_94 = tpu.vector_load %arg11[%get3A_92, %get3A_93] {strides = array<i32>} : memref<1024x16xf32, #tpu.memory_space<vmem>>, vector<1x16xf32>,
        %get3A_95 = vector.shape_cast %get3A_94 : vector<1x16xf32> to vector<16xf32>
        %mul3A_96 = arith.mulf %get3A_95, %div3A_26 : vector<16xf32>
        %add3A_97 = arith.addf %add3A_91, %mul3A_96 : vector<16xf32>
        %jit3A_98 = arith.constant 8 : i32
        %div3A_99 = arith.divsi %scan3A_80, %jit3A_98 : i32
        %sign3A_100 = arith.constant 0 : i32
        %sign3A_101 = arith.cmpi sgt, %scan3A_80, %sign3A_100 : i32
        %sign3A_102 = arith.extui %sign3A_101 : i1 to i32
        %sign3A_103 = arith.constant 0 : i32
        %sign3A_104 = arith.cmpi slt, %scan3A_80, %sign3A_103 : i32
        %sign3A_105 = arith.extui %sign3A_104 : i1 to i32
        %sign3A_106 = arith.subi %sign3A_102, %sign3A_105 : i32
        %sign3A_107 = arith.constant 0 : i32
        %sign3A_108 = arith.cmpi sgt, %jit3A_98, %sign3A_107 : i32
        %sign3A_109 = arith.extui %sign3A_108 : i1 to i32
        %sign3A_110 = arith.constant 0 : i32
        %sign3A_111 = arith.cmpi slt, %jit3A_98, %sign3A_110 : i32
        %sign3A_112 = arith.extui %sign3A_111 : i1 to i32
        %sign3A_113 = arith.subi %sign3A_109, %sign3A_112 : i32
        %ne3A_114 = arith.cmpi ne, %sign3A_106, %sign3A_113 : i32
        %rem3A_115 = arith.remsi %scan3A_80, %jit3A_98 : i32
        %ne3A_116 = arith.constant 0 : i32
        %ne3A_117 = arith.cmpi ne, %rem3A_115, %ne3A_116 : i32
        %and3A_118 = arith.andi %ne3A_114, %ne3A_117 : i1
        %sub3A_119 = arith.constant 1 : i32
        %sub3A_120 = arith.subi %div3A_99, %sub3A_119 : i32
        %select_n3A_121 = arith.select %and3A_118, %sub3A_120, %div3A_99 : i32
        %jit3A_122 = arith.constant 8 : i32
        %eq3A = arith.constant 0 : i32
        %eq3A_123 = arith.cmpi eq, %jit3A_122, %eq3A : i32
        %jit3A_124 = arith.constant 1 : i32
        %select_n3A_125 = arith.select %eq3A_123, %jit3A_124, %jit3A_122 : i32
        %rem3A_126 = arith.remsi %scan3A_80, %select_n3A_125 : i32
        %ne3A_127 = arith.constant 0 : i32
        %ne3A_128 = arith.cmpi ne, %rem3A_126, %ne3A_127 : i32
        %lt3A = arith.constant 0 : i32
        %lt3A_129 = arith.cmpi slt, %rem3A_126, %lt3A : i32
        %lt3A_130 = arith.constant 0 : i32
        %lt3A_131 = arith.cmpi slt, %select_n3A_125, %lt3A_130 : i32
        %ne3A_132 = arith.xori %lt3A_129, %lt3A_131 : i1
        %and3A_133 = arith.andi %ne3A_132, %ne3A_128 : i1
        %add3A_134 = arith.addi %rem3A_126, %select_n3A_125 : i32
        %select_n3A_135 = arith.select %and3A_133, %add3A_134, %rem3A_126 : i32
        %mul3A_136 = arith.constant 16 : i32
        %mul3A_137 = arith.muli %select_n3A_135, %mul3A_136 : i32
        %swap3A = arith.index_cast %select_n3A_121 : i32 to index
        %swap3A_138 = arith.index_cast %mul3A_137 : i32 to index
        %swap3A_139 = tpu.vector_load %arg12[%swap3A, %swap3A_138] {strides = array<i32>} : memref<128x128xf32, #tpu.memory_space<vmem>>, vector<1x16xf32>,
        %swap3A_140 = vector.shape_cast %swap3A_139 : vector<1x16xf32> to vector<16xf32>
        %swap3A_141 = vector.shape_cast %add3A_97 : vector<16xf32> to vector<1x16xf32>
        tpu.vector_store %arg12[%swap3A, %swap3A_138], %swap3A_141 {strides = array<i32>} : memref<128x128xf32, #tpu.memory_space<vmem>>, vector<1x16xf32>,
        %scan3A_142 = arith.constant 1 : i32
        %scan3A_143 = arith.addi %scan3A_80, %scan3A_142 : i32
        %get3A_144 = arith.index_cast %scan3A_143 : i32 to index
        %get3A_145 = arith.constant 0 : index
        %get3A_146 = tpu.vector_load %arg9[%get3A_144, %get3A_145] {strides = array<i32>} : memref<1024x16xf32, #tpu.memory_space<vmem>>, vector<1x16xf32>,
        %get3A_147 = vector.shape_cast %get3A_146 : vector<1x16xf32> to vector<16xf32>
        %mul3A_148 = arith.mulf %get3A_147, %div3A : vector<16xf32>
        %get3A_149 = arith.index_cast %scan3A_143 : i32 to index
        %get3A_150 = arith.constant 0 : index
        %get3A_151 = tpu.vector_load %arg10[%get3A_149, %get3A_150] {strides = array<i32>} : memref<1024x16xf32, #tpu.memory_space<vmem>>, vector<1x16xf32>,
        %get3A_152 = vector.shape_cast %get3A_151 : vector<1x16xf32> to vector<16xf32>
        %mul3A_153 = arith.mulf %get3A_152, %div3A_25 : vector<16xf32>
        %add3A_154 = arith.addf %mul3A_148, %mul3A_153 : vector<16xf32>
        %get3A_155 = arith.index_cast %scan3A_143 : i32 to index
        %get3A_156 = arith.constant 0 : index
        %get3A_157 = tpu.vector_load %arg11[%get3A_155, %get3A_156] {strides = array<i32>} : memref<1024x16xf32, #tpu.memory_space<vmem>>, vector<1x16xf32>,
        %get3A_158 = vector.shape_cast %get3A_157 : vector<1x16xf32> to vector<16xf32>
        %mul3A_159 = arith.mulf %get3A_158, %div3A_26 : vector<16xf32>
        %add3A_160 = arith.addf %add3A_154, %mul3A_159 : vector<16xf32>
        %jit3A_161 = arith.constant 8 : i32
        %div3A_162 = arith.divsi %scan3A_143, %jit3A_161 : i32
        %sign3A_163 = arith.constant 0 : i32
        %sign3A_164 = arith.cmpi sgt, %scan3A_143, %sign3A_163 : i32
        %sign3A_165 = arith.extui %sign3A_164 : i1 to i32
        %sign3A_166 = arith.constant 0 : i32
        %sign3A_167 = arith.cmpi slt, %scan3A_143, %sign3A_166 : i32
        %sign3A_168 = arith.extui %sign3A_167 : i1 to i32
        %sign3A_169 = arith.subi %sign3A_165, %sign3A_168 : i32
        %sign3A_170 = arith.constant 0 : i32
        %sign3A_171 = arith.cmpi sgt, %jit3A_161, %sign3A_170 : i32
        %sign3A_172 = arith.extui %sign3A_171 : i1 to i32
        %sign3A_173 = arith.constant 0 : i32
        %sign3A_174 = arith.cmpi slt, %jit3A_161, %sign3A_173 : i32
        %sign3A_175 = arith.extui %sign3A_174 : i1 to i32
        %sign3A_176 = arith.subi %sign3A_172, %sign3A_175 : i32
        %ne3A_177 = arith.cmpi ne, %sign3A_169, %sign3A_176 : i32
        %rem3A_178 = arith.remsi %scan3A_143, %jit3A_161 : i32
        %ne3A_179 = arith.constant 0 : i32
        %ne3A_180 = arith.cmpi ne, %rem3A_178, %ne3A_179 : i32
        %and3A_181 = arith.andi %ne3A_177, %ne3A_180 : i1
        %sub3A_182 = arith.constant 1 : i32
        %sub3A_183 = arith.subi %div3A_162, %sub3A_182 : i32
        %select_n3A_184 = arith.select %and3A_181, %sub3A_183, %div3A_162 : i32
        %jit3A_185 = arith.constant 8 : i32
        %eq3A_186 = arith.constant 0 : i32
        %eq3A_187 = arith.cmpi eq, %jit3A_185, %eq3A_186 : i32
        %jit3A_188 = arith.constant 1 : i32
        %select_n3A_189 = arith.select %eq3A_187, %jit3A_188, %jit3A_185 : i32
        %rem3A_190 = arith.remsi %scan3A_143, %select_n3A_189 : i32
        %ne3A_191 = arith.constant 0 : i32
        %ne3A_192 = arith.cmpi ne, %rem3A_190, %ne3A_191 : i32
        %lt3A_193 = arith.constant 0 : i32
        %lt3A_194 = arith.cmpi slt, %rem3A_190, %lt3A_193 : i32
        %lt3A_195 = arith.constant 0 : i32
        %lt3A_196 = arith.cmpi slt, %select_n3A_189, %lt3A_195 : i32
        %ne3A_197 = arith.xori %lt3A_194, %lt3A_196 : i1
        %and3A_198 = arith.andi %ne3A_197, %ne3A_192 : i1
        %add3A_199 = arith.addi %rem3A_190, %select_n3A_189 : i32
        %select_n3A_200 = arith.select %and3A_198, %add3A_199, %rem3A_190 : i32
        %mul3A_201 = arith.constant 16 : i32
        %mul3A_202 = arith.muli %select_n3A_200, %mul3A_201 : i32
        %swap3A_203 = arith.index_cast %select_n3A_184 : i32 to index
        %swap3A_204 = arith.index_cast %mul3A_202 : i32 to index
        %swap3A_205 = tpu.vector_load %arg12[%swap3A_203, %swap3A_204] {strides = array<i32>} : memref<128x128xf32, #tpu.memory_space<vmem>>, vector<1x16xf32>,
        %swap3A_206 = vector.shape_cast %swap3A_205 : vector<1x16xf32> to vector<16xf32>
        %swap3A_207 = vector.shape_cast %add3A_160 : vector<16xf32> to vector<1x16xf32>
        tpu.vector_store %arg12[%swap3A_203, %swap3A_204], %swap3A_207 {strides = array<i32>} : memref<128x128xf32, #tpu.memory_space<vmem>>, vector<1x16xf32>,
        %scan3A_208 = arith.constant 2 : i32
        %scan3A_209 = arith.addi %scan3A_80, %scan3A_208 : i32
        %get3A_210 = arith.index_cast %scan3A_209 : i32 to index
        %get3A_211 = arith.constant 0 : index
        %get3A_212 = tpu.vector_load %arg9[%get3A_210, %get3A_211] {strides = array<i32>} : memref<1024x16xf32, #tpu.memory_space<vmem>>, vector<1x16xf32>,
        %get3A_213 = vector.shape_cast %get3A_212 : vector<1x16xf32> to vector<16xf32>
        %mul3A_214 = arith.mulf %get3A_213, %div3A : vector<16xf32>
        %get3A_215 = arith.index_cast %scan3A_209 : i32 to index
        %get3A_216 = arith.constant 0 : index
        %get3A_217 = tpu.vector_load %arg10[%get3A_215, %get3A_216] {strides = array<i32>} : memref<1024x16xf32, #tpu.memory_space<vmem>>, vector<1x16xf32>,
        %get3A_218 = vector.shape_cast %get3A_217 : vector<1x16xf32> to vector<16xf32>
        %mul3A_219 = arith.mulf %get3A_218, %div3A_25 : vector<16xf32>
        %add3A_220 = arith.addf %mul3A_214, %mul3A_219 : vector<16xf32>
        %get3A_221 = arith.index_cast %scan3A_209 : i32 to index
        %get3A_222 = arith.constant 0 : index
        %get3A_223 = tpu.vector_load %arg11[%get3A_221, %get3A_222] {strides = array<i32>} : memref<1024x16xf32, #tpu.memory_space<vmem>>, vector<1x16xf32>,
        %get3A_224 = vector.shape_cast %get3A_223 : vector<1x16xf32> to vector<16xf32>
        %mul3A_225 = arith.mulf %get3A_224, %div3A_26 : vector<16xf32>
        %add3A_226 = arith.addf %add3A_220, %mul3A_225 : vector<16xf32>
        %jit3A_227 = arith.constant 8 : i32
        %div3A_228 = arith.divsi %scan3A_209, %jit3A_227 : i32
        %sign3A_229 = arith.constant 0 : i32
        %sign3A_230 = arith.cmpi sgt, %scan3A_209, %sign3A_229 : i32
        %sign3A_231 = arith.extui %sign3A_230 : i1 to i32
        %sign3A_232 = arith.constant 0 : i32
        %sign3A_233 = arith.cmpi slt, %scan3A_209, %sign3A_232 : i32
        %sign3A_234 = arith.extui %sign3A_233 : i1 to i32
        %sign3A_235 = arith.subi %sign3A_231, %sign3A_234 : i32
        %sign3A_236 = arith.constant 0 : i32
        %sign3A_237 = arith.cmpi sgt, %jit3A_227, %sign3A_236 : i32
        %sign3A_238 = arith.extui %sign3A_237 : i1 to i32
        %sign3A_239 = arith.constant 0 : i32
        %sign3A_240 = arith.cmpi slt, %jit3A_227, %sign3A_239 : i32
        %sign3A_241 = arith.extui %sign3A_240 : i1 to i32
        %sign3A_242 = arith.subi %sign3A_238, %sign3A_241 : i32
        %ne3A_243 = arith.cmpi ne, %sign3A_235, %sign3A_242 : i32
        %rem3A_244 = arith.remsi %scan3A_209, %jit3A_227 : i32
        %ne3A_245 = arith.constant 0 : i32
        %ne3A_246 = arith.cmpi ne, %rem3A_244, %ne3A_245 : i32
        %and3A_247 = arith.andi %ne3A_243, %ne3A_246 : i1
        %sub3A_248 = arith.constant 1 : i32
        %sub3A_249 = arith.subi %div3A_228, %sub3A_248 : i32
        %select_n3A_250 = arith.select %and3A_247, %sub3A_249, %div3A_228 : i32
        %jit3A_251 = arith.constant 8 : i32
        %eq3A_252 = arith.constant 0 : i32
        %eq3A_253 = arith.cmpi eq, %jit3A_251, %eq3A_252 : i32
        %jit3A_254 = arith.constant 1 : i32
        %select_n3A_255 = arith.select %eq3A_253, %jit3A_254, %jit3A_251 : i32
        %rem3A_256 = arith.remsi %scan3A_209, %select_n3A_255 : i32
        %ne3A_257 = arith.constant 0 : i32
        %ne3A_258 = arith.cmpi ne, %rem3A_256, %ne3A_257 : i32
        %lt3A_259 = arith.constant 0 : i32
        %lt3A_260 = arith.cmpi slt, %rem3A_256, %lt3A_259 : i32
        %lt3A_261 = arith.constant 0 : i32
        %lt3A_262 = arith.cmpi slt, %select_n3A_255, %lt3A_261 : i32
        %ne3A_263 = arith.xori %lt3A_260, %lt3A_262 : i1
        %and3A_264 = arith.andi %ne3A_263, %ne3A_258 : i1
        %add3A_265 = arith.addi %rem3A_256, %select_n3A_255 : i32
        %select_n3A_266 = arith.select %and3A_264, %add3A_265, %rem3A_256 : i32
        %mul3A_267 = arith.constant 16 : i32
        %mul3A_268 = arith.muli %select_n3A_266, %mul3A_267 : i32
        %swap3A_269 = arith.index_cast %select_n3A_250 : i32 to index
        %swap3A_270 = arith.index_cast %mul3A_268 : i32 to index
        %swap3A_271 = tpu.vector_load %arg12[%swap3A_269, %swap3A_270] {strides = array<i32>} : memref<128x128xf32, #tpu.memory_space<vmem>>, vector<1x16xf32>,
        %swap3A_272 = vector.shape_cast %swap3A_271 : vector<1x16xf32> to vector<16xf32>
        %swap3A_273 = vector.shape_cast %add3A_226 : vector<16xf32> to vector<1x16xf32>
        tpu.vector_store %arg12[%swap3A_269, %swap3A_270], %swap3A_273 {strides = array<i32>} : memref<128x128xf32, #tpu.memory_space<vmem>>, vector<1x16xf32>,
        %scan3A_274 = arith.constant 3 : i32
        %scan3A_275 = arith.addi %scan3A_80, %scan3A_274 : i32
        %get3A_276 = arith.index_cast %scan3A_275 : i32 to index
        %get3A_277 = arith.constant 0 : index
        %get3A_278 = tpu.vector_load %arg9[%get3A_276, %get3A_277] {strides = array<i32>} : memref<1024x16xf32, #tpu.memory_space<vmem>>, vector<1x16xf32>,
        %get3A_279 = vector.shape_cast %get3A_278 : vector<1x16xf32> to vector<16xf32>
        %mul3A_280 = arith.mulf %get3A_279, %div3A : vector<16xf32>
        %get3A_281 = arith.index_cast %scan3A_275 : i32 to index
        %get3A_282 = arith.constant 0 : index
        %get3A_283 = tpu.vector_load %arg10[%get3A_281, %get3A_282] {strides = array<i32>} : memref<1024x16xf32, #tpu.memory_space<vmem>>, vector<1x16xf32>,
        %get3A_284 = vector.shape_cast %get3A_283 : vector<1x16xf32> to vector<16xf32>
        %mul3A_285 = arith.mulf %get3A_284, %div3A_25 : vector<16xf32>
        %add3A_286 = arith.addf %mul3A_280, %mul3A_285 : vector<16xf32>
        %get3A_287 = arith.index_cast %scan3A_275 : i32 to index
        %get3A_288 = arith.constant 0 : index
        %get3A_289 = tpu.vector_load %arg11[%get3A_287, %get3A_288] {strides = array<i32>} : memref<1024x16xf32, #tpu.memory_space<vmem>>, vector<1x16xf32>,
        %get3A_290 = vector.shape_cast %get3A_289 : vector<1x16xf32> to vector<16xf32>
        %mul3A_291 = arith.mulf %get3A_290, %div3A_26 : vector<16xf32>
        %add3A_292 = arith.addf %add3A_286, %mul3A_291 : vector<16xf32>
        %jit3A_293 = arith.constant 8 : i32
        %div3A_294 = arith.divsi %scan3A_275, %jit3A_293 : i32
        %sign3A_295 = arith.constant 0 : i32
        %sign3A_296 = arith.cmpi sgt, %scan3A_275, %sign3A_295 : i32
        %sign3A_297 = arith.extui %sign3A_296 : i1 to i32
        %sign3A_298 = arith.constant 0 : i32
        %sign3A_299 = arith.cmpi slt, %scan3A_275, %sign3A_298 : i32
        %sign3A_300 = arith.extui %sign3A_299 : i1 to i32
        %sign3A_301 = arith.subi %sign3A_297, %sign3A_300 : i32
        %sign3A_302 = arith.constant 0 : i32
        %sign3A_303 = arith.cmpi sgt, %jit3A_293, %sign3A_302 : i32
        %sign3A_304 = arith.extui %sign3A_303 : i1 to i32
        %sign3A_305 = arith.constant 0 : i32
        %sign3A_306 = arith.cmpi slt, %jit3A_293, %sign3A_305 : i32
        %sign3A_307 = arith.extui %sign3A_306 : i1 to i32
        %sign3A_308 = arith.subi %sign3A_304, %sign3A_307 : i32
        %ne3A_309 = arith.cmpi ne, %sign3A_301, %sign3A_308 : i32
        %rem3A_310 = arith.remsi %scan3A_275, %jit3A_293 : i32
        %ne3A_311 = arith.constant 0 : i32
        %ne3A_312 = arith.cmpi ne, %rem3A_310, %ne3A_311 : i32
        %and3A_313 = arith.andi %ne3A_309, %ne3A_312 : i1
        %sub3A_314 = arith.constant 1 : i32
        %sub3A_315 = arith.subi %div3A_294, %sub3A_314 : i32
        %select_n3A_316 = arith.select %and3A_313, %sub3A_315, %div3A_294 : i32
        %jit3A_317 = arith.constant 8 : i32
        %eq3A_318 = arith.constant 0 : i32
        %eq3A_319 = arith.cmpi eq, %jit3A_317, %eq3A_318 : i32
        %jit3A_320 = arith.constant 1 : i32
        %select_n3A_321 = arith.select %eq3A_319, %jit3A_320, %jit3A_317 : i32
        %rem3A_322 = arith.remsi %scan3A_275, %select_n3A_321 : i32
        %ne3A_323 = arith.constant 0 : i32
        %ne3A_324 = arith.cmpi ne, %rem3A_322, %ne3A_323 : i32
        %lt3A_325 = arith.constant 0 : i32
        %lt3A_326 = arith.cmpi slt, %rem3A_322, %lt3A_325 : i32
        %lt3A_327 = arith.constant 0 : i32
        %lt3A_328 = arith.cmpi slt, %select_n3A_321, %lt3A_327 : i32
        %ne3A_329 = arith.xori %lt3A_326, %lt3A_328 : i1
        %and3A_330 = arith.andi %ne3A_329, %ne3A_324 : i1
        %add3A_331 = arith.addi %rem3A_322, %select_n3A_321 : i32
        %select_n3A_332 = arith.select %and3A_330, %add3A_331, %rem3A_322 : i32
        %mul3A_333 = arith.constant 16 : i32
        %mul3A_334 = arith.muli %select_n3A_332, %mul3A_333 : i32
        %swap3A_335 = arith.index_cast %select_n3A_316 : i32 to index
        %swap3A_336 = arith.index_cast %mul3A_334 : i32 to index
        %swap3A_337 = tpu.vector_load %arg12[%swap3A_335, %swap3A_336] {strides = array<i32>} : memref<128x128xf32, #tpu.memory_space<vmem>>, vector<1x16xf32>,
        %swap3A_338 = vector.shape_cast %swap3A_337 : vector<1x16xf32> to vector<16xf32>
        %swap3A_339 = vector.shape_cast %add3A_292 : vector<16xf32> to vector<1x16xf32>
        tpu.vector_store %arg12[%swap3A_335, %swap3A_336], %swap3A_339 {strides = array<i32>} : memref<128x128xf32, #tpu.memory_space<vmem>>, vector<1x16xf32>,
        %scan3A_340 = arith.constant 4 : i32
        %scan3A_341 = arith.addi %scan3A_80, %scan3A_340 : i32
        %get3A_342 = arith.index_cast %scan3A_341 : i32 to index
        %get3A_343 = arith.constant 0 : index
        %get3A_344 = tpu.vector_load %arg9[%get3A_342, %get3A_343] {strides = array<i32>} : memref<1024x16xf32, #tpu.memory_space<vmem>>, vector<1x16xf32>,
        %get3A_345 = vector.shape_cast %get3A_344 : vector<1x16xf32> to vector<16xf32>
        %mul3A_346 = arith.mulf %get3A_345, %div3A : vector<16xf32>
        %get3A_347 = arith.index_cast %scan3A_341 : i32 to index
        %get3A_348 = arith.constant 0 : index
        %get3A_349 = tpu.vector_load %arg10[%get3A_347, %get3A_348] {strides = array<i32>} : memref<1024x16xf32, #tpu.memory_space<vmem>>, vector<1x16xf32>,
        %get3A_350 = vector.shape_cast %get3A_349 : vector<1x16xf32> to vector<16xf32>
        %mul3A_351 = arith.mulf %get3A_350, %div3A_25 : vector<16xf32>
        %add3A_352 = arith.addf %mul3A_346, %mul3A_351 : vector<16xf32>
        %get3A_353 = arith.index_cast %scan3A_341 : i32 to index
        %get3A_354 = arith.constant 0 : index
        %get3A_355 = tpu.vector_load %arg11[%get3A_353, %get3A_354] {strides = array<i32>} : memref<1024x16xf32, #tpu.memory_space<vmem>>, vector<1x16xf32>,
        %get3A_356 = vector.shape_cast %get3A_355 : vector<1x16xf32> to vector<16xf32>
        %mul3A_357 = arith.mulf %get3A_356, %div3A_26 : vector<16xf32>
        %add3A_358 = arith.addf %add3A_352, %mul3A_357 : vector<16xf32>
        %jit3A_359 = arith.constant 8 : i32
        %div3A_360 = arith.divsi %scan3A_341, %jit3A_359 : i32
        %sign3A_361 = arith.constant 0 : i32
        %sign3A_362 = arith.cmpi sgt, %scan3A_341, %sign3A_361 : i32
        %sign3A_363 = arith.extui %sign3A_362 : i1 to i32
        %sign3A_364 = arith.constant 0 : i32
        %sign3A_365 = arith.cmpi slt, %scan3A_341, %sign3A_364 : i32
        %sign3A_366 = arith.extui %sign3A_365 : i1 to i32
        %sign3A_367 = arith.subi %sign3A_363, %sign3A_366 : i32
        %sign3A_368 = arith.constant 0 : i32
        %sign3A_369 = arith.cmpi sgt, %jit3A_359, %sign3A_368 : i32
        %sign3A_370 = arith.extui %sign3A_369 : i1 to i32
        %sign3A_371 = arith.constant 0 : i32
        %sign3A_372 = arith.cmpi slt, %jit3A_359, %sign3A_371 : i32
        %sign3A_373 = arith.extui %sign3A_372 : i1 to i32
        %sign3A_374 = arith.subi %sign3A_370, %sign3A_373 : i32
        %ne3A_375 = arith.cmpi ne, %sign3A_367, %sign3A_374 : i32
        %rem3A_376 = arith.remsi %scan3A_341, %jit3A_359 : i32
        %ne3A_377 = arith.constant 0 : i32
        %ne3A_378 = arith.cmpi ne, %rem3A_376, %ne3A_377 : i32
        %and3A_379 = arith.andi %ne3A_375, %ne3A_378 : i1
        %sub3A_380 = arith.constant 1 : i32
        %sub3A_381 = arith.subi %div3A_360, %sub3A_380 : i32
        %select_n3A_382 = arith.select %and3A_379, %sub3A_381, %div3A_360 : i32
        %jit3A_383 = arith.constant 8 : i32
        %eq3A_384 = arith.constant 0 : i32
        %eq3A_385 = arith.cmpi eq, %jit3A_383, %eq3A_384 : i32
        %jit3A_386 = arith.constant 1 : i32
        %select_n3A_387 = arith.select %eq3A_385, %jit3A_386, %jit3A_383 : i32
        %rem3A_388 = arith.remsi %scan3A_341, %select_n3A_387 : i32
        %ne3A_389 = arith.constant 0 : i32
        %ne3A_390 = arith.cmpi ne, %rem3A_388, %ne3A_389 : i32
        %lt3A_391 = arith.constant 0 : i32
        %lt3A_392 = arith.cmpi slt, %rem3A_388, %lt3A_391 : i32
        %lt3A_393 = arith.constant 0 : i32
        %lt3A_394 = arith.cmpi slt, %select_n3A_387, %lt3A_393 : i32
        %ne3A_395 = arith.xori %lt3A_392, %lt3A_394 : i1
        %and3A_396 = arith.andi %ne3A_395, %ne3A_390 : i1
        %add3A_397 = arith.addi %rem3A_388, %select_n3A_387 : i32
        %select_n3A_398 = arith.select %and3A_396, %add3A_397, %rem3A_388 : i32
        %mul3A_399 = arith.constant 16 : i32
        %mul3A_400 = arith.muli %select_n3A_398, %mul3A_399 : i32
        %swap3A_401 = arith.index_cast %select_n3A_382 : i32 to index
        %swap3A_402 = arith.index_cast %mul3A_400 : i32 to index
        %swap3A_403 = tpu.vector_load %arg12[%swap3A_401, %swap3A_402] {strides = array<i32>} : memref<128x128xf32, #tpu.memory_space<vmem>>, vector<1x16xf32>,
        %swap3A_404 = vector.shape_cast %swap3A_403 : vector<1x16xf32> to vector<16xf32>
        %swap3A_405 = vector.shape_cast %add3A_358 : vector<16xf32> to vector<1x16xf32>
        tpu.vector_store %arg12[%swap3A_401, %swap3A_402], %swap3A_405 {strides = array<i32>} : memref<128x128xf32, #tpu.memory_space<vmem>>, vector<1x16xf32>,
        %scan3A_406 = arith.constant 5 : i32
        %scan3A_407 = arith.addi %scan3A_80, %scan3A_406 : i32
        %get3A_408 = arith.index_cast %scan3A_407 : i32 to index
        %get3A_409 = arith.constant 0 : index
        %get3A_410 = tpu.vector_load %arg9[%get3A_408, %get3A_409] {strides = array<i32>} : memref<1024x16xf32, #tpu.memory_space<vmem>>, vector<1x16xf32>,
        %get3A_411 = vector.shape_cast %get3A_410 : vector<1x16xf32> to vector<16xf32>
        %mul3A_412 = arith.mulf %get3A_411, %div3A : vector<16xf32>
        %get3A_413 = arith.index_cast %scan3A_407 : i32 to index
        %get3A_414 = arith.constant 0 : index
        %get3A_415 = tpu.vector_load %arg10[%get3A_413, %get3A_414] {strides = array<i32>} : memref<1024x16xf32, #tpu.memory_space<vmem>>, vector<1x16xf32>,
        %get3A_416 = vector.shape_cast %get3A_415 : vector<1x16xf32> to vector<16xf32>
        %mul3A_417 = arith.mulf %get3A_416, %div3A_25 : vector<16xf32>
        %add3A_418 = arith.addf %mul3A_412, %mul3A_417 : vector<16xf32>
        %get3A_419 = arith.index_cast %scan3A_407 : i32 to index
        %get3A_420 = arith.constant 0 : index
        %get3A_421 = tpu.vector_load %arg11[%get3A_419, %get3A_420] {strides = array<i32>} : memref<1024x16xf32, #tpu.memory_space<vmem>>, vector<1x16xf32>,
        %get3A_422 = vector.shape_cast %get3A_421 : vector<1x16xf32> to vector<16xf32>
        %mul3A_423 = arith.mulf %get3A_422, %div3A_26 : vector<16xf32>
        %add3A_424 = arith.addf %add3A_418, %mul3A_423 : vector<16xf32>
        %jit3A_425 = arith.constant 8 : i32
        %div3A_426 = arith.divsi %scan3A_407, %jit3A_425 : i32
        %sign3A_427 = arith.constant 0 : i32
        %sign3A_428 = arith.cmpi sgt, %scan3A_407, %sign3A_427 : i32
        %sign3A_429 = arith.extui %sign3A_428 : i1 to i32
        %sign3A_430 = arith.constant 0 : i32
        %sign3A_431 = arith.cmpi slt, %scan3A_407, %sign3A_430 : i32
        %sign3A_432 = arith.extui %sign3A_431 : i1 to i32
        %sign3A_433 = arith.subi %sign3A_429, %sign3A_432 : i32
        %sign3A_434 = arith.constant 0 : i32
        %sign3A_435 = arith.cmpi sgt, %jit3A_425, %sign3A_434 : i32
        %sign3A_436 = arith.extui %sign3A_435 : i1 to i32
        %sign3A_437 = arith.constant 0 : i32
        %sign3A_438 = arith.cmpi slt, %jit3A_425, %sign3A_437 : i32
        %sign3A_439 = arith.extui %sign3A_438 : i1 to i32
        %sign3A_440 = arith.subi %sign3A_436, %sign3A_439 : i32
        %ne3A_441 = arith.cmpi ne, %sign3A_433, %sign3A_440 : i32
        %rem3A_442 = arith.remsi %scan3A_407, %jit3A_425 : i32
        %ne3A_443 = arith.constant 0 : i32
        %ne3A_444 = arith.cmpi ne, %rem3A_442, %ne3A_443 : i32
        %and3A_445 = arith.andi %ne3A_441, %ne3A_444 : i1
        %sub3A_446 = arith.constant 1 : i32
        %sub3A_447 = arith.subi %div3A_426, %sub3A_446 : i32
        %select_n3A_448 = arith.select %and3A_445, %sub3A_447, %div3A_426 : i32
        %jit3A_449 = arith.constant 8 : i32
        %eq3A_450 = arith.constant 0 : i32
        %eq3A_451 = arith.cmpi eq, %jit3A_449, %eq3A_450 : i32
        %jit3A_452 = arith.constant 1 : i32
        %select_n3A_453 = arith.select %eq3A_451, %jit3A_452, %jit3A_449 : i32
        %rem3A_454 = arith.remsi %scan3A_407, %select_n3A_453 : i32
        %ne3A_455 = arith.constant 0 : i32
        %ne3A_456 = arith.cmpi ne, %rem3A_454, %ne3A_455 : i32
        %lt3A_457 = arith.constant 0 : i32
        %lt3A_458 = arith.cmpi slt, %rem3A_454, %lt3A_457 : i32
        %lt3A_459 = arith.constant 0 : i32
        %lt3A_460 = arith.cmpi slt, %select_n3A_453, %lt3A_459 : i32
        %ne3A_461 = arith.xori %lt3A_458, %lt3A_460 : i1
        %and3A_462 = arith.andi %ne3A_461, %ne3A_456 : i1
        %add3A_463 = arith.addi %rem3A_454, %select_n3A_453 : i32
        %select_n3A_464 = arith.select %and3A_462, %add3A_463, %rem3A_454 : i32
        %mul3A_465 = arith.constant 16 : i32
        %mul3A_466 = arith.muli %select_n3A_464, %mul3A_465 : i32
        %swap3A_467 = arith.index_cast %select_n3A_448 : i32 to index
        %swap3A_468 = arith.index_cast %mul3A_466 : i32 to index
        %swap3A_469 = tpu.vector_load %arg12[%swap3A_467, %swap3A_468] {strides = array<i32>} : memref<128x128xf32, #tpu.memory_space<vmem>>, vector<1x16xf32>,
        %swap3A_470 = vector.shape_cast %swap3A_469 : vector<1x16xf32> to vector<16xf32>
        %swap3A_471 = vector.shape_cast %add3A_424 : vector<16xf32> to vector<1x16xf32>
        tpu.vector_store %arg12[%swap3A_467, %swap3A_468], %swap3A_471 {strides = array<i32>} : memref<128x128xf32, #tpu.memory_space<vmem>>, vector<1x16xf32>,
        %scan3A_472 = arith.constant 6 : i32
        %scan3A_473 = arith.addi %scan3A_80, %scan3A_472 : i32
        %get3A_474 = arith.index_cast %scan3A_473 : i32 to index
        %get3A_475 = arith.constant 0 : index
        %get3A_476 = tpu.vector_load %arg9[%get3A_474, %get3A_475] {strides = array<i32>} : memref<1024x16xf32, #tpu.memory_space<vmem>>, vector<1x16xf32>,
        %get3A_477 = vector.shape_cast %get3A_476 : vector<1x16xf32> to vector<16xf32>
        %mul3A_478 = arith.mulf %get3A_477, %div3A : vector<16xf32>
        %get3A_479 = arith.index_cast %scan3A_473 : i32 to index
        %get3A_480 = arith.constant 0 : index
        %get3A_481 = tpu.vector_load %arg10[%get3A_479, %get3A_480] {strides = array<i32>} : memref<1024x16xf32, #tpu.memory_space<vmem>>, vector<1x16xf32>,
        %get3A_482 = vector.shape_cast %get3A_481 : vector<1x16xf32> to vector<16xf32>
        %mul3A_483 = arith.mulf %get3A_482, %div3A_25 : vector<16xf32>
        %add3A_484 = arith.addf %mul3A_478, %mul3A_483 : vector<16xf32>
        %get3A_485 = arith.index_cast %scan3A_473 : i32 to index
        %get3A_486 = arith.constant 0 : index
        %get3A_487 = tpu.vector_load %arg11[%get3A_485, %get3A_486] {strides = array<i32>} : memref<1024x16xf32, #tpu.memory_space<vmem>>, vector<1x16xf32>,
        %get3A_488 = vector.shape_cast %get3A_487 : vector<1x16xf32> to vector<16xf32>
        %mul3A_489 = arith.mulf %get3A_488, %div3A_26 : vector<16xf32>
        %add3A_490 = arith.addf %add3A_484, %mul3A_489 : vector<16xf32>
        %jit3A_491 = arith.constant 8 : i32
        %div3A_492 = arith.divsi %scan3A_473, %jit3A_491 : i32
        %sign3A_493 = arith.constant 0 : i32
        %sign3A_494 = arith.cmpi sgt, %scan3A_473, %sign3A_493 : i32
        %sign3A_495 = arith.extui %sign3A_494 : i1 to i32
        %sign3A_496 = arith.constant 0 : i32
        %sign3A_497 = arith.cmpi slt, %scan3A_473, %sign3A_496 : i32
        %sign3A_498 = arith.extui %sign3A_497 : i1 to i32
        %sign3A_499 = arith.subi %sign3A_495, %sign3A_498 : i32
        %sign3A_500 = arith.constant 0 : i32
        %sign3A_501 = arith.cmpi sgt, %jit3A_491, %sign3A_500 : i32
        %sign3A_502 = arith.extui %sign3A_501 : i1 to i32
        %sign3A_503 = arith.constant 0 : i32
        %sign3A_504 = arith.cmpi slt, %jit3A_491, %sign3A_503 : i32
        %sign3A_505 = arith.extui %sign3A_504 : i1 to i32
        %sign3A_506 = arith.subi %sign3A_502, %sign3A_505 : i32
        %ne3A_507 = arith.cmpi ne, %sign3A_499, %sign3A_506 : i32
        %rem3A_508 = arith.remsi %scan3A_473, %jit3A_491 : i32
        %ne3A_509 = arith.constant 0 : i32
        %ne3A_510 = arith.cmpi ne, %rem3A_508, %ne3A_509 : i32
        %and3A_511 = arith.andi %ne3A_507, %ne3A_510 : i1
        %sub3A_512 = arith.constant 1 : i32
        %sub3A_513 = arith.subi %div3A_492, %sub3A_512 : i32
        %select_n3A_514 = arith.select %and3A_511, %sub3A_513, %div3A_492 : i32
        %jit3A_515 = arith.constant 8 : i32
        %eq3A_516 = arith.constant 0 : i32
        %eq3A_517 = arith.cmpi eq, %jit3A_515, %eq3A_516 : i32
        %jit3A_518 = arith.constant 1 : i32
        %select_n3A_519 = arith.select %eq3A_517, %jit3A_518, %jit3A_515 : i32
        %rem3A_520 = arith.remsi %scan3A_473, %select_n3A_519 : i32
        %ne3A_521 = arith.constant 0 : i32
        %ne3A_522 = arith.cmpi ne, %rem3A_520, %ne3A_521 : i32
        %lt3A_523 = arith.constant 0 : i32
        %lt3A_524 = arith.cmpi slt, %rem3A_520, %lt3A_523 : i32
        %lt3A_525 = arith.constant 0 : i32
        %lt3A_526 = arith.cmpi slt, %select_n3A_519, %lt3A_525 : i32
        %ne3A_527 = arith.xori %lt3A_524, %lt3A_526 : i1
        %and3A_528 = arith.andi %ne3A_527, %ne3A_522 : i1
        %add3A_529 = arith.addi %rem3A_520, %select_n3A_519 : i32
        %select_n3A_530 = arith.select %and3A_528, %add3A_529, %rem3A_520 : i32
        %mul3A_531 = arith.constant 16 : i32
        %mul3A_532 = arith.muli %select_n3A_530, %mul3A_531 : i32
        %swap3A_533 = arith.index_cast %select_n3A_514 : i32 to index
        %swap3A_534 = arith.index_cast %mul3A_532 : i32 to index
        %swap3A_535 = tpu.vector_load %arg12[%swap3A_533, %swap3A_534] {strides = array<i32>} : memref<128x128xf32, #tpu.memory_space<vmem>>, vector<1x16xf32>,
        %swap3A_536 = vector.shape_cast %swap3A_535 : vector<1x16xf32> to vector<16xf32>
        %swap3A_537 = vector.shape_cast %add3A_490 : vector<16xf32> to vector<1x16xf32>
        tpu.vector_store %arg12[%swap3A_533, %swap3A_534], %swap3A_537 {strides = array<i32>} : memref<128x128xf32, #tpu.memory_space<vmem>>, vector<1x16xf32>,
        %scan3A_538 = arith.constant 7 : i32
        %scan3A_539 = arith.addi %scan3A_80, %scan3A_538 : i32
        %get3A_540 = arith.index_cast %scan3A_539 : i32 to index
        %get3A_541 = arith.constant 0 : index
        %get3A_542 = tpu.vector_load %arg9[%get3A_540, %get3A_541] {strides = array<i32>} : memref<1024x16xf32, #tpu.memory_space<vmem>>, vector<1x16xf32>,
        %get3A_543 = vector.shape_cast %get3A_542 : vector<1x16xf32> to vector<16xf32>
        %mul3A_544 = arith.mulf %get3A_543, %div3A : vector<16xf32>
        %get3A_545 = arith.index_cast %scan3A_539 : i32 to index
        %get3A_546 = arith.constant 0 : index
        %get3A_547 = tpu.vector_load %arg10[%get3A_545, %get3A_546] {strides = array<i32>} : memref<1024x16xf32, #tpu.memory_space<vmem>>, vector<1x16xf32>,
        %get3A_548 = vector.shape_cast %get3A_547 : vector<1x16xf32> to vector<16xf32>
        %mul3A_549 = arith.mulf %get3A_548, %div3A_25 : vector<16xf32>
        %add3A_550 = arith.addf %mul3A_544, %mul3A_549 : vector<16xf32>
        %get3A_551 = arith.index_cast %scan3A_539 : i32 to index
        %get3A_552 = arith.constant 0 : index
        %get3A_553 = tpu.vector_load %arg11[%get3A_551, %get3A_552] {strides = array<i32>} : memref<1024x16xf32, #tpu.memory_space<vmem>>, vector<1x16xf32>,
        %get3A_554 = vector.shape_cast %get3A_553 : vector<1x16xf32> to vector<16xf32>
        %mul3A_555 = arith.mulf %get3A_554, %div3A_26 : vector<16xf32>
        %add3A_556 = arith.addf %add3A_550, %mul3A_555 : vector<16xf32>
        %jit3A_557 = arith.constant 8 : i32
        %div3A_558 = arith.divsi %scan3A_539, %jit3A_557 : i32
        %sign3A_559 = arith.constant 0 : i32
        %sign3A_560 = arith.cmpi sgt, %scan3A_539, %sign3A_559 : i32
        %sign3A_561 = arith.extui %sign3A_560 : i1 to i32
        %sign3A_562 = arith.constant 0 : i32
        %sign3A_563 = arith.cmpi slt, %scan3A_539, %sign3A_562 : i32
        %sign3A_564 = arith.extui %sign3A_563 : i1 to i32
        %sign3A_565 = arith.subi %sign3A_561, %sign3A_564 : i32
        %sign3A_566 = arith.constant 0 : i32
        %sign3A_567 = arith.cmpi sgt, %jit3A_557, %sign3A_566 : i32
        %sign3A_568 = arith.extui %sign3A_567 : i1 to i32
        %sign3A_569 = arith.constant 0 : i32
        %sign3A_570 = arith.cmpi slt, %jit3A_557, %sign3A_569 : i32
        %sign3A_571 = arith.extui %sign3A_570 : i1 to i32
        %sign3A_572 = arith.subi %sign3A_568, %sign3A_571 : i32
        %ne3A_573 = arith.cmpi ne, %sign3A_565, %sign3A_572 : i32
        %rem3A_574 = arith.remsi %scan3A_539, %jit3A_557 : i32
        %ne3A_575 = arith.constant 0 : i32
        %ne3A_576 = arith.cmpi ne, %rem3A_574, %ne3A_575 : i32
        %and3A_577 = arith.andi %ne3A_573, %ne3A_576 : i1
        %sub3A_578 = arith.constant 1 : i32
        %sub3A_579 = arith.subi %div3A_558, %sub3A_578 : i32
        %select_n3A_580 = arith.select %and3A_577, %sub3A_579, %div3A_558 : i32
        %jit3A_581 = arith.constant 8 : i32
        %eq3A_582 = arith.constant 0 : i32
        %eq3A_583 = arith.cmpi eq, %jit3A_581, %eq3A_582 : i32
        %jit3A_584 = arith.constant 1 : i32
        %select_n3A_585 = arith.select %eq3A_583, %jit3A_584, %jit3A_581 : i32
        %rem3A_586 = arith.remsi %scan3A_539, %select_n3A_585 : i32
        %ne3A_587 = arith.constant 0 : i32
        %ne3A_588 = arith.cmpi ne, %rem3A_586, %ne3A_587 : i32
        %lt3A_589 = arith.constant 0 : i32
        %lt3A_590 = arith.cmpi slt, %rem3A_586, %lt3A_589 : i32
        %lt3A_591 = arith.constant 0 : i32
        %lt3A_592 = arith.cmpi slt, %select_n3A_585, %lt3A_591 : i32
        %ne3A_593 = arith.xori %lt3A_590, %lt3A_592 : i1
        %and3A_594 = arith.andi %ne3A_593, %ne3A_588 : i1
        %add3A_595 = arith.addi %rem3A_586, %select_n3A_585 : i32
        %select_n3A_596 = arith.select %and3A_594, %add3A_595, %rem3A_586 : i32
        %mul3A_597 = arith.constant 16 : i32
        %mul3A_598 = arith.muli %select_n3A_596, %mul3A_597 : i32
        %swap3A_599 = arith.index_cast %select_n3A_580 : i32 to index
        %swap3A_600 = arith.index_cast %mul3A_598 : i32 to index
        %swap3A_601 = tpu.vector_load %arg12[%swap3A_599, %swap3A_600] {strides = array<i32>} : memref<128x128xf32, #tpu.memory_space<vmem>>, vector<1x16xf32>,
        %swap3A_602 = vector.shape_cast %swap3A_601 : vector<1x16xf32> to vector<16xf32>
        %swap3A_603 = vector.shape_cast %add3A_556 : vector<16xf32> to vector<1x16xf32>
        tpu.vector_store %arg12[%swap3A_599, %swap3A_600], %swap3A_603 {strides = array<i32>} : memref<128x128xf32, #tpu.memory_space<vmem>>, vector<1x16xf32>,
      }
      %scan3A_59 = arith.constant 1024 : i32
      %mul3A_60 = arith.constant 16 : i32
      %mul3A_61 = arith.muli %add3A_37, %mul3A_60 : i32
      %jit3A = arith.constant 128 : i32
      %div3A_62 = arith.divsi %mul3A_61, %jit3A : i32
      %sign3A = arith.constant 0 : i32
      %sign3A_63 = arith.cmpi sgt, %mul3A_61, %sign3A : i32
      %sign3A_64 = arith.extui %sign3A_63 : i1 to i32
      %sign3A_65 = arith.constant 0 : i32
      %sign3A_66 = arith.cmpi slt, %mul3A_61, %sign3A_65 : i32
      %sign3A_67 = arith.extui %sign3A_66 : i1 to i32
      %sign3A_68 = arith.subi %sign3A_64, %sign3A_67 : i32
      %sign3A_69 = arith.constant 0 : i32
      %sign3A_70 = arith.cmpi sgt, %jit3A, %sign3A_69 : i32
      %sign3A_71 = arith.extui %sign3A_70 : i1 to i32
      %sign3A_72 = arith.constant 0 : i32
      %sign3A_73 = arith.cmpi slt, %jit3A, %sign3A_72 : i32
      %sign3A_74 = arith.extui %sign3A_73 : i1 to i32
      %sign3A_75 = arith.subi %sign3A_71, %sign3A_74 : i32
      %ne3A = arith.cmpi ne, %sign3A_68, %sign3A_75 : i32
      %rem3A = arith.remsi %mul3A_61, %jit3A : i32
      %ne3A_76 = arith.constant 0 : i32
      %ne3A_77 = arith.cmpi ne, %rem3A, %ne3A_76 : i32
      %and3A = arith.andi %ne3A, %ne3A_77 : i1
      %sub3A_78 = arith.constant 1 : i32
      %sub3A_79 = arith.subi %div3A_62, %sub3A_78 : i32
      %select_n3A = arith.select %and3A, %sub3A_79, %div3A_62 : i32
      "tpu.region"() ({
        %run_scoped3A = tpu.sem_alloc : memref<!tpu.dma_semaphore, #tpu.memory_space<semaphore_mem>>
        %dma_start3A_80 = arith.constant 0 : i32
        %dma_start3A_81 = tpu.memref_slice %arg7[%select_n3A, %dma_start3A_80] : memref<102400x128xf32, #tpu.memory_space<hbm>> -> memref<128x128xf32, #tpu.memory_space<hbm>>
        %dma_start3A_82 = arith.constant 0 : i32
        %dma_start3A_83 = tpu.memref_slice %arg7[%select_n3A, %dma_start3A_82] : memref<102400x128xf32, #tpu.memory_space<hbm>> -> memref<128x128xf32, #tpu.memory_space<hbm>>
        tpu.enqueue_dma source(%arg12 : memref<128x128xf32, #tpu.memory_space<vmem>>) target(%dma_start3A_83 : memref<128x128xf32, #tpu.memory_space<hbm>>) target_semaphore(%run_scoped3A : memref<!tpu.dma_semaphore, #tpu.memory_space<semaphore_mem>>)
        %dma_wait3A_84 = arith.constant 0 : i32
        %dma_wait3A_85 = tpu.memref_slice %arg7[%select_n3A, %dma_wait3A_84] : memref<102400x128xf32, #tpu.memory_space<hbm>> -> memref<128x128xf32, #tpu.memory_space<hbm>>
        %dma_wait3A_86 = arith.constant 0 : i32
        %dma_wait3A_87 = tpu.memref_slice %arg7[%select_n3A, %dma_wait3A_86] : memref<102400x128xf32, #tpu.memory_space<hbm>> -> memref<128x128xf32, #tpu.memory_space<hbm>>
        tpu.wait_dma2 semaphore(%run_scoped3A : memref<!tpu.dma_semaphore, #tpu.memory_space<semaphore_mem>>) src(%arg12 : memref<128x128xf32, #tpu.memory_space<vmem>>) dst(%dma_wait3A_87 : memref<128x128xf32, #tpu.memory_space<hbm>>)
        tpu.yield
      }) : () -> ()
    }
    %scan3A_31 = arith.constant 25 : i32
    return
  }
}

module attributes {stable_mosaic.version = 14 : i64} {
  func.func @_score_body(%arg0: i32, %arg1: memref<640000xf32, #tpu.memory_space<vmem>>, %arg2: memref<640000xf32, #tpu.memory_space<vmem>>, %arg3: memref<640000xf32, #tpu.memory_space<vmem>>, %arg4: memref<128x128xf32, #tpu.memory_space<vmem>>, %arg5: memref<1x128xf32, #tpu.memory_space<vmem>>, %arg6: memref<1x128xf32, #tpu.memory_space<vmem>>, %arg7: memref<3xf32, #tpu.memory_space<smem>>) attributes {dimension_semantics = [#tpu.dimension_semantics<arbitrary>], iteration_bounds = array<i64: 25>, scalar_prefetch = 0 : i64, scratch_operands = 0 : i64, tpu.core_type = #tpu.core_type<tc>, window_params = [{transform_indices = @transform_0, window_bounds = array<i64: 640000>}, {transform_indices = @transform_1, window_bounds = array<i64: 640000>}, {transform_indices = @transform_2, window_bounds = array<i64: 640000>}, {pipeline_mode = #tpu.pipeline_mode<synchronous>, transform_indices = @transform_3, window_bounds = array<i64: 128, 128>}, {pipeline_mode = #tpu.pipeline_mode<synchronous>, transform_indices = @transform_4, window_bounds = array<i64: 1, 128>}, {pipeline_mode = #tpu.pipeline_mode<synchronous>, transform_indices = @transform_5, window_bounds = array<i64: 1, 128>}, {transform_indices = @transform_6, window_bounds = array<i64: 3>}]} {
    %eq3A = arith.constant 0 : i32
    %eq3A_0 = arith.cmpi eq, %arg0, %eq3A : i32
    %convert_element_type3A = arith.extui %eq3A_0 : i1 to i32
    %cond3A = arith.constant 0 : i32
    %cond3A_1 = arith.cmpi ne, %convert_element_type3A, %cond3A : i32
    scf.if %cond3A_1 {
      %swap3A_63 = arith.constant 0.000000e+00 : f32
      %swap3A_64 = arith.constant 0 : index
      %swap3A_65 = memref.load %arg7[%swap3A_64] : memref<3xf32, #tpu.memory_space<smem>>
      memref.store %swap3A_63, %arg7[%swap3A_64] : memref<3xf32, #tpu.memory_space<smem>>
      %swap3A_66 = arith.constant 0.000000e+00 : f32
      %swap3A_67 = arith.constant 1 : index
      %swap3A_68 = memref.load %arg7[%swap3A_67] : memref<3xf32, #tpu.memory_space<smem>>
      memref.store %swap3A_66, %arg7[%swap3A_67] : memref<3xf32, #tpu.memory_space<smem>>
      %swap3A_69 = arith.constant 0.000000e+00 : f32
      %swap3A_70 = arith.constant 2 : index
      %swap3A_71 = memref.load %arg7[%swap3A_70] : memref<3xf32, #tpu.memory_space<smem>>
      memref.store %swap3A_69, %arg7[%swap3A_70] : memref<3xf32, #tpu.memory_space<smem>>
    } else {
    }
    %get3A = arith.constant 0 : index
    %get3A_2 = arith.constant 0 : index
    %get3A_3 = vector.load %arg4[%get3A, %get3A_2] : memref<128x128xf32, #tpu.memory_space<vmem>>, vector<128x128xf32>
    %get3A_4 = arith.constant 0 : index
    %get3A_5 = arith.constant 0 : index
    %get3A_6 = vector.load %arg5[%get3A_4, %get3A_5] : memref<1x128xf32, #tpu.memory_space<vmem>>, vector<1x128xf32>
    %get3A_7 = arith.constant 0 : index
    %get3A_8 = arith.constant 0 : index
    %get3A_9 = vector.load %arg6[%get3A_7, %get3A_8] : memref<1x128xf32, #tpu.memory_space<vmem>>, vector<1x128xf32>
    %get3A_10 = arith.constant 0 : index
    %get3A_11 = vector.load %arg1[%get3A_10] : memref<640000xf32, #tpu.memory_space<vmem>>, vector<640000xf32>
    %reshape3A = vector.shape_cast %get3A_11 : vector<640000xf32> to vector<5000x128xf32>
    %dot_general3A = arith.constant dense<0.000000e+00> : vector<5000x128xf32>
    %dot_general3A_12 = tpu.matmul %reshape3A, %get3A_3, %dot_general3A {dimension_numbers = #tpu.dot_dimension_numbers<[1], [0], [0], [1], [0, 0, 1, 1], [], []>, transpose_lhs_hint = false} : vector<5000x128xf32>, vector<128x128xf32>, vector<5000x128xf32> -> vector<5000x128xf32>
    %add3A = vector.broadcast %get3A_6 : vector<1x128xf32> to vector<5000x128xf32>
    %add3A_13 = arith.addf %dot_general3A_12, %add3A : vector<5000x128xf32>
    %tanh3A = math.tanh %add3A_13 : vector<5000x128xf32>
    %get3A_14 = arith.constant 0 : index
    %get3A_15 = memref.load %arg7[%get3A_14] : memref<3xf32, #tpu.memory_space<smem>>
    %mul3A = vector.broadcast %get3A_9 : vector<1x128xf32> to vector<5000x128xf32>
    %mul3A_16 = arith.mulf %tanh3A, %mul3A : vector<5000x128xf32>
    %reduce_sum3A = vector.shape_cast %mul3A_16 : vector<5000x128xf32> to vector<1x5000x128xf32>
    %reduce_sum3A_17 = arith.constant dense<0.000000e+00> : vector<1xf32>
    %reduce_sum3A_18 = vector.multi_reduction <add>, %reduce_sum3A, %reduce_sum3A_17 [1, 2] : vector<1x5000x128xf32> to vector<1xf32>
    %reduce_sum3A_19 = vector.shape_cast %reduce_sum3A_18 : vector<1xf32> to vector<1x1x1xf32>
    %reduce_sum3A_20 = vector.extract %reduce_sum3A_19[0, 0, 0] : f32 from vector<1x1x1xf32>
    %add3A_21 = arith.addf %get3A_15, %reduce_sum3A_20 : f32
    %swap3A = arith.constant 0 : index
    %swap3A_22 = memref.load %arg7[%swap3A] : memref<3xf32, #tpu.memory_space<smem>>
    memref.store %add3A_21, %arg7[%swap3A] : memref<3xf32, #tpu.memory_space<smem>>
    %get3A_23 = arith.constant 0 : index
    %get3A_24 = vector.load %arg2[%get3A_23] : memref<640000xf32, #tpu.memory_space<vmem>>, vector<640000xf32>
    %reshape3A_25 = vector.shape_cast %get3A_24 : vector<640000xf32> to vector<5000x128xf32>
    %dot_general3A_26 = arith.constant dense<0.000000e+00> : vector<5000x128xf32>
    %dot_general3A_27 = tpu.matmul %reshape3A_25, %get3A_3, %dot_general3A_26 {dimension_numbers = #tpu.dot_dimension_numbers<[1], [0], [0], [1], [0, 0, 1, 1], [], []>, transpose_lhs_hint = false} : vector<5000x128xf32>, vector<128x128xf32>, vector<5000x128xf32> -> vector<5000x128xf32>
    %add3A_28 = vector.broadcast %get3A_6 : vector<1x128xf32> to vector<5000x128xf32>
    %add3A_29 = arith.addf %dot_general3A_27, %add3A_28 : vector<5000x128xf32>
    %tanh3A_30 = math.tanh %add3A_29 : vector<5000x128xf32>
    %get3A_31 = arith.constant 1 : index
    %get3A_32 = memref.load %arg7[%get3A_31] : memref<3xf32, #tpu.memory_space<smem>>
    %mul3A_33 = vector.broadcast %get3A_9 : vector<1x128xf32> to vector<5000x128xf32>
    %mul3A_34 = arith.mulf %tanh3A_30, %mul3A_33 : vector<5000x128xf32>
    %reduce_sum3A_35 = vector.shape_cast %mul3A_34 : vector<5000x128xf32> to vector<1x5000x128xf32>
    %reduce_sum3A_36 = arith.constant dense<0.000000e+00> : vector<1xf32>
    %reduce_sum3A_37 = vector.multi_reduction <add>, %reduce_sum3A_35, %reduce_sum3A_36 [1, 2] : vector<1x5000x128xf32> to vector<1xf32>
    %reduce_sum3A_38 = vector.shape_cast %reduce_sum3A_37 : vector<1xf32> to vector<1x1x1xf32>
    %reduce_sum3A_39 = vector.extract %reduce_sum3A_38[0, 0, 0] : f32 from vector<1x1x1xf32>
    %add3A_40 = arith.addf %get3A_32, %reduce_sum3A_39 : f32
    %swap3A_41 = arith.constant 1 : index
    %swap3A_42 = memref.load %arg7[%swap3A_41] : memref<3xf32, #tpu.memory_space<smem>>
    memref.store %add3A_40, %arg7[%swap3A_41] : memref<3xf32, #tpu.memory_space<smem>>
    %get3A_43 = arith.constant 0 : index
    %get3A_44 = vector.load %arg3[%get3A_43] : memref<640000xf32, #tpu.memory_space<vmem>>, vector<640000xf32>
    %reshape3A_45 = vector.shape_cast %get3A_44 : vector<640000xf32> to vector<5000x128xf32>
    %dot_general3A_46 = arith.constant dense<0.000000e+00> : vector<5000x128xf32>
    %dot_general3A_47 = tpu.matmul %reshape3A_45, %get3A_3, %dot_general3A_46 {dimension_numbers = #tpu.dot_dimension_numbers<[1], [0], [0], [1], [0, 0, 1, 1], [], []>, transpose_lhs_hint = false} : vector<5000x128xf32>, vector<128x128xf32>, vector<5000x128xf32> -> vector<5000x128xf32>
    %add3A_48 = vector.broadcast %get3A_6 : vector<1x128xf32> to vector<5000x128xf32>
    %add3A_49 = arith.addf %dot_general3A_47, %add3A_48 : vector<5000x128xf32>
    %tanh3A_50 = math.tanh %add3A_49 : vector<5000x128xf32>
    %get3A_51 = arith.constant 2 : index
    %get3A_52 = memref.load %arg7[%get3A_51] : memref<3xf32, #tpu.memory_space<smem>>
    %mul3A_53 = vector.broadcast %get3A_9 : vector<1x128xf32> to vector<5000x128xf32>
    %mul3A_54 = arith.mulf %tanh3A_50, %mul3A_53 : vector<5000x128xf32>
    %reduce_sum3A_55 = vector.shape_cast %mul3A_54 : vector<5000x128xf32> to vector<1x5000x128xf32>
    %reduce_sum3A_56 = arith.constant dense<0.000000e+00> : vector<1xf32>
    %reduce_sum3A_57 = vector.multi_reduction <add>, %reduce_sum3A_55, %reduce_sum3A_56 [1, 2] : vector<1x5000x128xf32> to vector<1xf32>
    %reduce_sum3A_58 = vector.shape_cast %reduce_sum3A_57 : vector<1xf32> to vector<1x1x1xf32>
    %reduce_sum3A_59 = vector.extract %reduce_sum3A_58[0, 0, 0] : f32 from vector<1x1x1xf32>
    %add3A_60 = arith.addf %get3A_52, %reduce_sum3A_59 : f32
    %swap3A_61 = arith.constant 2 : index
    %swap3A_62 = memref.load %arg7[%swap3A_61] : memref<3xf32, #tpu.memory_space<smem>>
    memref.store %add3A_60, %arg7[%swap3A_61] : memref<3xf32, #tpu.memory_space<smem>>
    return
  }
  func.func @transform_0(%arg0: i32) -> i32 {
    %c0_i32 = arith.constant 0 : i32
    return %arg0 : i32
  }
  func.func @transform_1(%arg0: i32) -> i32 {
    %c0_i32 = arith.constant 0 : i32
    return %arg0 : i32
  }
  func.func @transform_2(%arg0: i32) -> i32 {
    %c0_i32 = arith.constant 0 : i32
    return %arg0 : i32
  }
  func.func @transform_3(%arg0: i32) -> (i32, i32) {
    %c0_i32 = arith.constant 0 : i32
    %c0_i32_0 = arith.constant 0 : i32
    %c0_i32_1 = arith.constant 0 : i32
    return %c0_i32, %c0_i32_0 : i32, i32
  }
  func.func @transform_4(%arg0: i32) -> (i32, i32) {
    %c0_i32 = arith.constant 0 : i32
    %c0_i32_0 = arith.constant 0 : i32
    %c0_i32_1 = arith.constant 0 : i32
    return %c0_i32, %c0_i32_0 : i32, i32
  }
  func.func @transform_5(%arg0: i32) -> (i32, i32) {
    %c0_i32 = arith.constant 0 : i32
    %c0_i32_0 = arith.constant 0 : i32
    %c0_i32_1 = arith.constant 0 : i32
    return %c0_i32, %c0_i32_0 : i32, i32
  }
  func.func @transform_6(%arg0: i32) -> i32 {
    %c0_i32 = arith.constant 0 : i32
    %c0_i32_0 = arith.constant 0 : i32
    return %c0_i32 : i32
  }
}

</mosaic_0001>

<sc_bundles>
// kernel: kernel.4.cloned.1.call-start
scs
__scs_entry_jumppad:
0x0: {  	(pc) =	sbr.rel $0x88, $3  }
0x1: {  	(tag) =	ssettag $0x0;
	lr =	simm.s32 $0x1  }
0x2: {  	[smem:$0x3F9A] =	sst lr;
	_ =	strace $0xD0000000  }
0x3: {  	_ = 	snop  }
0x4: {  	_ = 	snop  }
0x5: {  	_ = 	snop  }
0x6: {  	_ = 	snop  }
0x7: {  	_ = 	snop  }
__scs_overlays_trampoline_lowered:
0x8: {  	[smem:$0x3FA9] =	sst s0  }
0x9: {  	[smem:$0x3FAA] =	sst s1  }
0xa: {  	[smem:$0x3FAB] =	sst s2  }
0xb: {  	[smem:$0x3FAC] =	sst s3  }
0xc: {  	[smem:$0x3FAD] =	sst s4  }
0xd: {  	[smem:$0x3FAE] =	sst s5  }
0xe: {  	[smem:$0x3FAF] =	sst s6  }
0xf: {  	[smem:$0x3FB0] =	sst s7  }
0x10: {  	[smem:$0x3FB1] =	sst s8  }
0x11: {  	[smem:$0x3FB2] =	sst s9;
	s0 =	simm.s32 @!p0 $0x0  }
0x12: {  	s1 =	sld [smem:$0x3F98];
	s0 =	simm.s32 @p0 $0x1  }
0x13: {  	[smem:$0x3FB3] =	sst s0;
	s0 =	simm.s32 @!p1 $0x0  }
0x14: {  	s2 =	sld [smem:$0x3F97];
	s0 =	simm.s32 @p1 $0x1  }
0x15: {  	[smem:$0x3FB4] =	sst s0;
	s0 =	simm.s32 @!p2 $0x0  }
0x16: {  	s3 =	sld [smem:$0x3FDB];
	s0 =	simm.s32 @p2 $0x1  }
0x17: {  	s4 =	simm.s32 $0x1BF5;
	[smem:$0x3FB6] =	sst s0  }
0x18: {  	s0 =	sld [smem:$0x3F99];
	_ =	swait.ge [sflag:s4], $0x0  }
0x19: {  	s7 =	sld [smem:$0x3F9A]  }
0x1a: {  	s8 =	sadd.s32 $0xFFFFE003, lr  }
0x1b: {  	s9 =	sadd.s32 $0xFFFFFEF7, lr;
	s5 =	simm.s32 $0xFFFFFFFF;
	p2 =	slt.u32 s8, $0xFFFFF086  }
0x1c: {  	p1 =	slt.u32 s9, $0xF7A;
	s5 =	simm.s32 @!p2 $0x0  }
0x1d: {  	s5 =	simm.s32 @p1 $0x1;
	p0 =	seq.s32 s7, s2  }
0x1e: {  	s7 =	smul.u32 @!p0 $0xF7A, s2;
	p2 =	seq.s32 @!p0 s5, $0x0  }
0x1f: {  	s9 =	smul.u32 $0xF7A, s1;
	s8 =	simm.s32 @!p0 $0x1BF5;
	p2 =	por !p2, p0  }
0x20: {  	[sflag:s8] =	ssyncset.s32 @!p0 $0xFFFFF086;
	s6 =	sadd.s32 @!p0 s3, s7;
	s7 =	simm.s32 @!p0 $0x108  }
0x21: {  	s3 =	sadd.s32 s3, s9;
	s6 =	sadd.s32 @!p0 $0x88, s6;
	s7 =	simm.s32 @p2 $0x1082  }
0x22: {  	[simem:s7], [sflag:s8] =	dma.local @!p0 [hbm:s6], $0xF7A  }
0x23: {  	s9 =	sor.u32 $0xD0000000, s2;
	s6 =	simm.s32 $0x108;
	_ =	swait.ge @!p0 [sflag:s8], $0x0  }
0x24: {  	s3 =	sadd.s32 $0x88, s3;
	s6 =	simm.s32 @!p1 $0x1082;
	[sflag:s4] =	ssyncset.s32 $0xFFFFF086  }
0x25: {  	[simem:s6], [sflag:s4] =	dma.local [hbm:s3], $0xF7A  }
0x26: {  	[smem:$0x3F9A] =	sst s1;
	(tag) =	ssettag s2;
	_ =	strace s9  }
0x27: {  	s1 =	sld [smem:$0x3FAA]  }
0x28: {  	s2 =	sld [smem:$0x3FAB]  }
0x29: {  	s4 =	sld [smem:$0x3FAD]  }
0x2a: {  	p0 =	seq.s32 s5, $0x0;
	s5 =	sld [smem:$0x3FAE]  }
0x2b: {  	s6 =	sld [smem:$0x3FAF]  }
0x2c: {  	s7 =	sld [smem:$0x3FB0]  }
0x2d: {  	s3 =	simm.s32 $0x108;
	s8 =	sld [smem:$0x3FB1]  }
0x2e: {  	s3 =	simm.s32 @!p0 $0x1082;
	s9 =	sld [smem:$0x3FB2]  }
0x2f: {  	lr =	sadd.s32 s0, s3;
	s0 =	sld [smem:$0x3FA9]  }
0x30: {  	s3 =	sld [smem:$0x3FAC]  }
0x31: {  	[smem:$0x3FB5] =	sst s10  }
0x32: {  	s10 =	sld [smem:$0x3FB3];
	_ =	sdelay $0x3  }
0x33: {  	p0 =	seq.s32 s10, $0x1;
	s10 =	sld [smem:$0x3FB5];
	_ =	sdelay $0x3  }
0x34: {  	[smem:$0x3FB5] =	sst s10  }
0x35: {  	s10 =	sld [smem:$0x3FB4];
	_ =	sdelay $0x3  }
0x36: {  	p1 =	seq.s32 s10, $0x1;
	s10 =	sld [smem:$0x3FB5];
	_ =	sdelay $0x3  }
0x37: {  	[smem:$0x3FB5] =	sst s10  }
0x38: {  	s10 =	sld [smem:$0x3FB6]  }
0x39: {  	_ = 	snop;
	(pc) =	sbr.ind lr, $3  }
0x3a: {  	_ = 	snop  }
0x3b: {  	_ = 	snop  }
0x3c: {  	p2 =	seq.s32 s10, $0x1;
	s10 =	sld [smem:$0x3FB5]  }
0x3d: {  	_ =	shalt  }
0x3e: {  	_ =	shalt  }
0x3f: {  	_ =	shalt  }
0x40: {  	_ =	shalt  }
0x41: {  	_ =	shalt  }
0x42: {  	_ =	shalt  }
0x43: {  	_ =	shalt  }
0x44: {  	_ =	shalt  }
0x45: {  	_ =	shalt  }
0x46: {  	_ =	shalt  }
0x47: {  	_ =	shalt  }
0x48: {  	_ =	shalt  }
0x49: {  	_ =	shalt  }
0x4a: {  	_ =	shalt  }
0x4b: {  	_ =	shalt  }
0x4c: {  	_ =	shalt  }
0x4d: {  	_ =	shalt  }
0x4e: {  	_ =	shalt  }
0x4f: {  	_ =	shalt  }
0x50: {  	_ =	shalt  }
0x51: {  	_ =	shalt  }
0x52: {  	_ =	shalt  }
0x53: {  	_ =	shalt  }
0x54: {  	_ =	shalt  }
0x55: {  	_ =	shalt  }
0x56: {  	_ =	shalt  }
0x57: {  	_ =	shalt  }
0x58: {  	_ =	shalt  }
0x59: {  	_ =	shalt  }
0x5a: {  	_ =	shalt  }
0x5b: {  	_ =	shalt  }
0x5c: {  	_ =	shalt  }
0x5d: {  	_ =	shalt  }
0x5e: {  	_ =	shalt  }
0x5f: {  	_ =	shalt  }
0x60: {  	_ =	shalt  }
0x61: {  	_ =	shalt  }
0x62: {  	_ =	shalt  }
0x63: {  	_ =	shalt  }
0x64: {  	_ =	shalt  }
0x65: {  	_ =	shalt  }
0x66: {  	_ =	shalt  }
0x67: {  	_ =	shalt  }
0x68: {  	_ =	shalt  }
0x69: {  	_ =	shalt  }
0x6a: {  	_ =	shalt  }
0x6b: {  	_ =	shalt  }
0x6c: {  	_ =	shalt  }
0x6d: {  	_ =	shalt  }
0x6e: {  	_ =	shalt  }
0x6f: {  	_ =	shalt  }
0x70: {  	_ =	shalt  }
0x71: {  	_ =	shalt  }
0x72: {  	_ =	shalt  }
0x73: {  	_ =	shalt  }
0x74: {  	_ =	shalt  }
0x75: {  	_ =	shalt  }
0x76: {  	_ =	shalt  }
0x77: {  	_ =	shalt  }
0x78: {  	_ =	shalt  }
0x79: {  	_ =	shalt  }
0x7a: {  	_ =	shalt  }
0x7b: {  	_ =	shalt  }
0x7c: {  	_ =	shalt  }
0x7d: {  	_ =	shalt  }
0x7e: {  	_ =	shalt  }
0x7f: {  	_ =	shalt  }
0x80: {  	_ =	shalt  }
0x81: {  	_ =	shalt  }
0x82: {  	_ =	shalt  }
0x83: {  	_ =	shalt  }
0x84: {  	_ =	shalt  }
0x85: {  	_ =	shalt  }
0x86: {  	_ =	shalt  }
0x87: {  	_ =	shalt  }
.Lfunc_end0:
.L_simem_size_0:
called_computation.1_lowered:
.L_overlay_start_0:
0x88: {  	s2 =	sld [smem:$0x3FD9]  }
0x89: {  	s3 =	sld [smem:$0x3FFE];
	_ =	sdelay $0x1  }
0x8a: {  	s1 =	srdreg.scid  }
0x8b: {  	s0 =	sand.u32 $0x1, s1  }
0x8c: {  	s17 =	sshll.u32 s0, $0xA;
	s2 =	sadd.s32 s3, s2  }
0x8d: {  	s2 =	sadd.s32 s2, s17  }
0x8e: {  	[smem:$0x3FC1] =	sst s2  }
0x8f: {  	_ = 	snop  }
0x90: {  	s2 =	sld [smem:$0x3FD0];
	(tm) =	ssettm $0x1  }
0x91: {  	s18 =	sld [smem:$0x3FFB];
	_ =	sdelay $0x3  }
0x92: {  	_ =	strace s18  }
0x93: {  	s3 =	sld [smem:$0x3FFC];
	_ =	sdelay $0x3  }
0x94: {  	_ =	strace s3  }
0x95: {  	s3 =	sld [smem:$0x3FFD];
	_ =	sdelay $0x3  }
0x96: {  	_ =	strace s3  }
0x97: {  	_ =	strace $0x8FFFFFFF  }
0x98: {  	s19 =	sld [smem:$0x3FDB];
	_ =	sdelay $0x1  }
0x99: {  	s4 =	simm.s32 $_scs_section_size  }
0x9a: {  	s5 =	simm.s32 $_size__tile_overlayer_lowered;
	s6 =	simm.s32 $_tile_overlayer_lowered  }
0x9b: {  	s22 =	simm.s32 $0x1BFF;
	s21 =	sshll.u32 s6, $0x1;
	s3 =	sadd.s32 s4, s19  }
0x9c: {  	s7 =	simm.s32 $0x0;
	s20 =	sshll.u32 s5, $0x1;
	s5 =	sadd.s32 s21, s3  }
0x9d: {  	[timem:s7], [sflag:s22] =	dma.local [hbm:s5], s20  }
0x9e: {  	_ =	swait.ge [sflag:s22], s20  }
0x9f: {  	s4 =	ssub.s32 $0x0, s20;
	[sflag:s22] =	ssyncset.done $0x0  }
0xa0: {  	[sflag:s22] =	ssyncadd.s32 s4;
	_ =	sdelay $0x1  }
0xa1: {  	s23 =	simm.s32 $0x1B8B  }
0xa2: {  	_ =	swait.ge [sflag:s23], $0x1  }
0xa3: {  	[sflag:s23] =	ssyncset.done $0x0  }
0xa4: {  	s25 =	simm.s32 $0x1B8E;
	s24 =	sld [smem:$0x3FFE];
	[sflag:s23] =	ssyncadd.s32 $0xFFFFFFFF  }
0xa5: {  	s26 =	simm.s32 $execute0_lowered;
	[smem:$0x3FD2] =	sst s25  }
0xa6: {  	s5 =	sshll.u32 s26, $0x1;
	_ =	strace $0x80000046;
	[dreg:$0x1] =	wrdreg $0xFFFFFFFF  }
0xa7: {  	s28 =	simm.s32 $_size_execute0_lowered;
	s3 =	sadd.s32 s3, s5;
	[dreg:$0x0] =	wrdreg $0x0  }
0xa8: {  	s5 =	sshll.u32 s28, $0x1;
	[dreg:$0x2] =	wrdreg s3  }
0xa9: {  	[dreg:$0x3] =	wrdreg s5  }
0xaa: {  	[dreg:$0x4] =	wrdreg $0xC0  }
0xab: {  	_ =	task [dreg:s7], $0x5FFFF  }
0xac: {  	[dreg:$0x1] =	wrdreg $0xFFFFFFFF  }
0xad: {  	[dreg:$0x0] =	wrdreg $0x60  }
0xae: {  	[dreg:$0x2] =	wrdreg s24  }
0xaf: {  	[dreg:$0x3] =	wrdreg s2  }
0xb0: {  	[dreg:$0x4] =	wrdreg $0x9  }
0xb1: {  	_ =	task.clear_ibuf [dreg:s7], $0x5FFFF;
	_ =	strace $0x90000046  }
0xb2: {  	s29 =	simm.s32 $0x9;
	_ =	strace $0x80000048  }
0xb3: {  	_ =	swait.ge [sflag:s29], $0x1  }
0xb4: {  	[sflag:s29] =	ssyncadd.s32 $0xFFFFFFFF  }
0xb5: {  	_ =	strace $0x90000048  }
0xb6: {  	_ =	sfence  }
0xb7: {  	s30 =	sld [smem:$0x0];
	_ =	sdelay $0x2  }
0xb8: {  	s31 =	sshll.u32 s1, $0xD;
	s1 =	sshrl.u32 s1, $0x2  }
0xb9: {  	s3 =	sand.u32 $0x4000, s31;
	s1 =	sadd.s32 s1, s30  }
0xba: {  	s0 =	sor.u32 s3, s0;
	s1 =	sshll.u32 s1, $0x11  }
0xbb: {  	s0 =	sor.u32 s1, s0  }
0xbc: {  	s0 =	sadd.s32 $0x8F2B, s0  }
0xbd: {  	[sflag:s0] =	ssyncadd.remote.s32 $0x1  }
0xbe: {  	_ =	sfence.sel $0xFFFF  }
0xbf: {  	[dreg:$0x0] =	wrdreg $0xFFFFFFFF;
	(pc) =	sbr.abs _section_cstart, $3  }
0xc0: {  	[dreg:$0x1] =	wrdreg $0xFFFFFFFF  }
0xc1: {  	_ =	task.clear_ibuf [dreg:s7], $0x2FFFF;
	_ =	strace $0x9FFFFFFF  }
0xc2: {  	(tm) =	ssettm $0x7FFFFFFF  }
0xc3: {  	_ =	shalt  }
tec
execute0_lowered:
.L_overlay_start_1:
0x0: {  	(tag) =	ssettag $0x1  }
0x1: {  	s8 =	rddreg [dreg:$0x0]  }
0x2: {  	s1 =	rddreg [dreg:$0x1]  }
0x3: {  	s0 =	rddreg [dreg:$0x2];
	s2 =	simm.s32 $0x0  }
0x4: {  	s3 =	srdreg.scid;
	s13 =	simm.s32 $0x400;
	s14 =	simm.s32 $0x4400  }
0x5: {  	s15 =	simm.s32 $0x8400;
	s16 =	simm.s32 $0x1;
	s17 =	simm.s32 $0x2  }
0x6: {  	s18 =	simm.s32 $0x3;
	s19 =	simm.s32 $0xC400;
	[smem:$0x7FF] =	sst s2  }
0x7: {  	s20 =	simm.s32 $0x0;
	s4 =	sadd.s32 $0x1314200, s8;
	s5 =	sadd.s32 $0x112BC00, s8  }
0x8: {  	s9 =	sand.u32 $0x1, s3;
	s6 =	sadd.s32 $0xF43600, s8;
	s3 =	stileid.u32  }
0x9: {  	s7 =	sadd.s32 $0x1400, s8;
	s8 =	sadd.s32 $0x1200, s8;
	s10 =	ssub.s32 $0x2, s9  }
0xa: {  	_ =	strace $0x80000047;
	s12 =	sshll.u32 s3, $0x1;
	s11 =	sshrl.u32 s10, $0x1  }
0xb: {  	s9 =	sor.u32 s9, s12;
	s12 =	simm.s32 $0x4;
	s10 =	ssub.s32 s10, s11  }
0xc: {  	s9 =	smul.u32 $0x6400, s9;
	s11 =	simm.s32 $0x10400;
	s10 =	smax.u32 s10, $0x1  }
.LBB2_1:
0xd: {  	[tilespmem:s11], [sflag:$0x4] =	stream.linear.gather [hbm4b:s8+s2], $0x30, $0x38;
	[tilespmem:$0x10430] =	vst v63  }
0xe: {  	_ =	swait.ge [sflag:s12], $0x30  }
0xf: {  	[sflag:s12] =	ssyncset.done $0x0  }
0x10: {  	[sflag:s12] =	ssyncadd.s32 $0xFFFFFFD0  }
0x11: {  	v0 =	vld [tilespmem:$0x10410]  }
0x12: {  	v1 =	vld [tilespmem:$0x10420]  }
0x13: {  	v2 =	vld [tilespmem:$0x10400];
	_ =	sdelay $0x3  }
0x14: {  	v0 =	vmul.f32 $9.999999970e-07, v0;
	v1 =	vmul.f32 $9.999999970e-07, v1  }
0x15: {  	v2 =	vmul.f32 $9.999999970e-07, v2  }
0x16: {  	v3 =	vmax.f32 v0, v1  }
0x17: {  	v3 =	vmax.f32 v2, v3  }
0x18: {  	v2 =	vsub.f32 v2, v3  }
0x19: {  	v0 =	vsub.f32 v0, v3  }
0x1a: {  	v2 =	vmul.f32 $1.442695020e+00, v2  }
0x1b: {  	v1 =	vsub.f32 v1, v3;
	v0 =	vmul.f32 $1.442695020e+00, v0  }
0x1c: {  	(erf) = vpow2.f32 v2  }
0x1d: {  	(erf) = vpow2.f32 v0;
	v0 =	vmul.f32 $1.442695020e+00, v1;
	_ =	sdelay $0x1  }
0x1e: {  	(erf) = vpow2.f32 v0;
	_ =	sdelay $0x5  }
0x1f: {  	v0 =	vpop (erf)  }
0x20: {  	v1 =	vpop (erf)  }
0x21: {  	v2 =	vadd.f32 v1, v0  }
0x22: {  	v3 =	vpop (erf)  }
0x23: {  	v2 =	vadd.f32 v2, v3;
	_ =	sdelay $0x1  }
0x24: {  	(erf) = vrcp.f32 v2;
	_ =	sdelay $0x8  }
0x25: {  	v2 =	vpop (erf)  }
0x26: {  	v0 =	vmul.f32 v2, v0  }
0x27: {  	s21 =	simm.s32 $0x0;
	v1 =	vmul.f32 v2, v1;
	v2 =	vmul.f32 v2, v3  }
.LBB2_2:
0x28: {  	s22 =	sshll.u32 s21, $0xA  }
0x29: {  	s22 =	sadd.s32 s9, s22  }
0x2a: {  	s23 =	sshrl.u32 s22, $0x3  }
0x2b: {  	s23 =	sadd.s32 s7, s23  }
0x2c: {  	[tilespmem:s2], [sflag:$0x4] =	stream.linear.gather [hbm4b:s23+s2], $0x400, $0x38;
	[tilespmem:$0x10430] =	vst v63  }
0x2d: {  	_ =	swait.ge [sflag:s12], $0x400  }
0x2e: {  	[sflag:s12] =	ssyncset.done $0x0  }
0x2f: {  	[sflag:s12] =	ssyncadd.s32 $0xFFFFFC00  }
0x30: {  	[tilespmem:s13], [sflag:$0x1] =	stream.indirect.gather [hbm4b:s4+s13], $0x10, s2, s13, $0xb8;
	[tilespmem:$0x10430] =	vst v63  }
0x31: {  	_ = 	snop  }
0x32: {  	[tilespmem:s14], [sflag:$0x2] =	stream.indirect.gather [hbm4b:s5+s13], $0x10, s2, s13, $0xb8;
	[tilespmem:$0x10430] =	vst v63  }
0x33: {  	_ = 	snop  }
0x34: {  	[tilespmem:s15], [sflag:$0x3] =	stream.indirect.gather [hbm4b:s6+s13], $0x10, s2, s13, $0xb8;
	[tilespmem:$0x10430] =	vst v63  }
0x35: {  	_ =	swait.ge [sflag:s16], $0x4000  }
0x36: {  	[sflag:s16] =	ssyncset.done $0x0  }
0x37: {  	[sflag:s16] =	ssyncadd.s32 $0xFFFFC000  }
0x38: {  	_ =	swait.ge [sflag:s17], $0x4000  }
0x39: {  	[sflag:s17] =	ssyncset.done $0x0  }
0x3a: {  	[sflag:s17] =	ssyncadd.s32 $0xFFFFC000  }
0x3b: {  	_ =	swait.ge [sflag:s18], $0x4000  }
0x3c: {  	[sflag:s18] =	ssyncset.done $0x0  }
0x3d: {  	s23 =	simm.s32 $0x4440;
	[sflag:s18] =	ssyncadd.s32 $0xFFFFC000  }
0x3e: {  	s24 =	simm.s32 $0x440;
	v3 =	vld [tilespmem:s23+$0xFFFFFFC0]  }
0x3f: {  	v4 =	vld [tilespmem:s24+$0xFFFFFFC0]  }
0x40: {  	s28 =	simm.s32 $0x8440  }
0x41: {  	v5 =	vld [tilespmem:s28+$0xFFFFFFC0];
	_ =	sdelay $0x2  }
0x42: {  	v3 =	vmul.f32 v3, v1;
	v4 =	vmul.f32 v4, v0;
	_ =	sdelay $0x1  }
0x43: {  	v5 =	vmul.f32 v5, v2;
	v3 =	vadd.f32 v3, v4;
	_ =	sdelay $0x1  }
0x44: {  	v3 =	vadd.f32 v5, v3  }
0x45: {  	s25 =	simm.s32 $0xC440  }
0x46: {  	[tilespmem:s25+$0xFFFFFFC0] =	vst v3  }
0x47: {  	v3 =	vld [tilespmem:s23+$0xFFFFFFD0]  }
0x48: {  	v4 =	vld [tilespmem:s24+$0xFFFFFFD0];
	_ =	sdelay $0x1  }
0x49: {  	v5 =	vld [tilespmem:s28+$0xFFFFFFD0];
	_ =	sdelay $0x2  }
0x4a: {  	v4 =	vmul.f32 v4, v0;
	v3 =	vmul.f32 v3, v1;
	_ =	sdelay $0x1  }
0x4b: {  	v3 =	vadd.f32 v3, v4;
	v4 =	vmul.f32 v5, v2;
	_ =	sdelay $0x1  }
0x4c: {  	v3 =	vadd.f32 v4, v3;
	_ =	sdelay $0x1  }
0x4d: {  	[tilespmem:s25+$0xFFFFFFD0] =	vst v3  }
0x4e: {  	v3 =	vld [tilespmem:s24+$0xFFFFFFE0]  }
0x4f: {  	v4 =	vld [tilespmem:s23+$0xFFFFFFE0];
	_ =	sdelay $0x1  }
0x50: {  	v5 =	vld [tilespmem:s28+$0xFFFFFFE0];
	_ =	sdelay $0x2  }
0x51: {  	v3 =	vmul.f32 v3, v0;
	v4 =	vmul.f32 v4, v1;
	_ =	sdelay $0x1  }
0x52: {  	v3 =	vadd.f32 v4, v3;
	v4 =	vmul.f32 v5, v2;
	_ =	sdelay $0x1  }
0x53: {  	v3 =	vadd.f32 v4, v3;
	_ =	sdelay $0x1  }
0x54: {  	[tilespmem:s25+$0xFFFFFFE0] =	vst v3  }
0x55: {  	v3 =	vld [tilespmem:s24+$0xFFFFFFF0]  }
0x56: {  	v4 =	vld [tilespmem:s23+$0xFFFFFFF0];
	_ =	sdelay $0x1  }
0x57: {  	v5 =	vld [tilespmem:s28+$0xFFFFFFF0];
	_ =	sdelay $0x2  }
0x58: {  	v3 =	vmul.f32 v3, v0;
	v4 =	vmul.f32 v4, v1;
	_ =	sdelay $0x1  }
0x59: {  	v3 =	vadd.f32 v4, v3;
	v4 =	vmul.f32 v5, v2;
	_ =	sdelay $0x1  }
0x5a: {  	v3 =	vadd.f32 v4, v3;
	_ =	sdelay $0x1  }
0x5b: {  	[tilespmem:s25+$0xFFFFFFF0] =	vst v3  }
0x5c: {  	v3 =	vld [tilespmem:s24+$0x0]  }
0x5d: {  	v4 =	vld [tilespmem:s23+$0x0];
	_ =	sdelay $0x1  }
0x5e: {  	v5 =	vld [tilespmem:s28+$0x0];
	_ =	sdelay $0x2  }
0x5f: {  	v3 =	vmul.f32 v3, v0;
	v4 =	vmul.f32 v4, v1;
	_ =	sdelay $0x1  }
0x60: {  	v3 =	vadd.f32 v4, v3;
	v4 =	vmul.f32 v5, v2;
	_ =	sdelay $0x1  }
0x61: {  	v3 =	vadd.f32 v4, v3;
	_ =	sdelay $0x1  }
0x62: {  	[tilespmem:s25+$0x0] =	vst v3  }
0x63: {  	v3 =	vld [tilespmem:s24+$0x10]  }
0x64: {  	v4 =	vld [tilespmem:s23+$0x10];
	_ =	sdelay $0x1  }
0x65: {  	v5 =	vld [tilespmem:s28+$0x10];
	_ =	sdelay $0x2  }
0x66: {  	v3 =	vmul.f32 v3, v0;
	v4 =	vmul.f32 v4, v1;
	_ =	sdelay $0x1  }
0x67: {  	v3 =	vadd.f32 v4, v3;
	v4 =	vmul.f32 v5, v2;
	_ =	sdelay $0x1  }
0x68: {  	v3 =	vadd.f32 v4, v3;
	_ =	sdelay $0x1  }
0x69: {  	[tilespmem:s25+$0x10] =	vst v3  }
0x6a: {  	v3 =	vld [tilespmem:s24+$0x20]  }
0x6b: {  	v4 =	vld [tilespmem:s23+$0x20];
	_ =	sdelay $0x1  }
0x6c: {  	v5 =	vld [tilespmem:s28+$0x20];
	_ =	sdelay $0x2  }
0x6d: {  	v3 =	vmul.f32 v3, v0;
	v4 =	vmul.f32 v4, v1;
	_ =	sdelay $0x1  }
0x6e: {  	v3 =	vadd.f32 v4, v3;
	v4 =	vmul.f32 v5, v2;
	_ =	sdelay $0x1  }
0x6f: {  	v3 =	vadd.f32 v4, v3;
	_ =	sdelay $0x1  }
0x70: {  	[tilespmem:s25+$0x20] =	vst v3  }
0x71: {  	v3 =	vld [tilespmem:s24+$0x30]  }
0x72: {  	v4 =	vld [tilespmem:s23+$0x30]  }
0x73: {  	v5 =	vld [tilespmem:s28+$0x30]  }
0x74: {  	s26 =	simm.s32 $0x0;
	s29 =	simm.s32 $0xC4C0;
	s28 =	simm.s32 $0x84C0  }
.LBB2_3:
0x75: {  	s26 =	sadd.s32 $0x8, s26;
	s24 =	sadd.s32 $0x80, s24;
	s23 =	sadd.s32 $0x80, s23  }
0x76: {  	p0 =	slt.u32 s26, $0x3F8;
	v3 =	vmul.f32 v3, v0  }
0x77: {  	v4 =	vmul.f32 v4, v1  }
0x78: {  	v5 =	vmul.f32 v5, v2  }
0x79: {  	v3 =	vadd.f32 v4, v3;
	_ =	sdelay $0x1  }
0x7a: {  	v3 =	vadd.f32 v5, v3;
	_ =	sdelay $0x1  }
0x7b: {  	[tilespmem:s25+$0x30] =	vst v3;
	s25 =	smov.u32 s29  }
0x7c: {  	v3 =	vld [tilespmem:s23+$0xFFFFFFC0]  }
0x7d: {  	v4 =	vld [tilespmem:s24+$0xFFFFFFC0]  }
0x7e: {  	v5 =	vld [tilespmem:s28+$0xFFFFFFC0];
	_ =	sdelay $0x2  }
0x7f: {  	v3 =	vmul.f32 v3, v1  }
0x80: {  	v4 =	vmul.f32 v4, v0  }
0x81: {  	v5 =	vmul.f32 v5, v2  }
0x82: {  	v3 =	vadd.f32 v3, v4;
	_ =	sdelay $0x1  }
0x83: {  	v3 =	vadd.f32 v5, v3;
	_ =	sdelay $0x1  }
0x84: {  	[tilespmem:s29+$0xFFFFFFC0] =	vst v3  }
0x85: {  	v3 =	vld [tilespmem:s23+$0xFFFFFFD0]  }
0x86: {  	v4 =	vld [tilespmem:s24+$0xFFFFFFD0];
	_ =	sdelay $0x1  }
0x87: {  	v5 =	vld [tilespmem:s28+$0xFFFFFFD0];
	_ =	sdelay $0x2  }
0x88: {  	v3 =	vmul.f32 v3, v1;
	v4 =	vmul.f32 v4, v0;
	_ =	sdelay $0x1  }
0x89: {  	v3 =	vadd.f32 v3, v4;
	v4 =	vmul.f32 v5, v2;
	_ =	sdelay $0x1  }
0x8a: {  	v3 =	vadd.f32 v4, v3;
	_ =	sdelay $0x1  }
0x8b: {  	[tilespmem:s29+$0xFFFFFFD0] =	vst v3  }
0x8c: {  	v3 =	vld [tilespmem:s24+$0xFFFFFFE0]  }
0x8d: {  	v4 =	vld [tilespmem:s23+$0xFFFFFFE0];
	_ =	sdelay $0x1  }
0x8e: {  	v5 =	vld [tilespmem:s28+$0xFFFFFFE0];
	_ =	sdelay $0x2  }
0x8f: {  	v3 =	vmul.f32 v3, v0;
	v4 =	vmul.f32 v4, v1;
	_ =	sdelay $0x1  }
0x90: {  	v3 =	vadd.f32 v4, v3;
	v4 =	vmul.f32 v5, v2;
	_ =	sdelay $0x1  }
0x91: {  	v3 =	vadd.f32 v4, v3;
	_ =	sdelay $0x1  }
0x92: {  	[tilespmem:s29+$0xFFFFFFE0] =	vst v3  }
0x93: {  	v3 =	vld [tilespmem:s24+$0xFFFFFFF0]  }
0x94: {  	v4 =	vld [tilespmem:s23+$0xFFFFFFF0]  }
0x95: {  	v5 =	vld [tilespmem:s28+$0xFFFFFFF0];
	_ =	sdelay $0x2  }
0x96: {  	v3 =	vmul.f32 v3, v0  }
0x97: {  	v4 =	vmul.f32 v4, v1;
	_ =	sdelay $0x1  }
0x98: {  	v3 =	vadd.f32 v4, v3;
	v4 =	vmul.f32 v5, v2;
	_ =	sdelay $0x1  }
0x99: {  	v3 =	vadd.f32 v4, v3;
	_ =	sdelay $0x1  }
0x9a: {  	[tilespmem:s29+$0xFFFFFFF0] =	vst v3  }
0x9b: {  	v3 =	vld [tilespmem:s24+$0x0]  }
0x9c: {  	v4 =	vld [tilespmem:s23+$0x0]  }
0x9d: {  	v5 =	vld [tilespmem:s28+$0x0];
	_ =	sdelay $0x2  }
0x9e: {  	v3 =	vmul.f32 v3, v0  }
0x9f: {  	v4 =	vmul.f32 v4, v1;
	_ =	sdelay $0x1  }
0xa0: {  	v3 =	vadd.f32 v4, v3;
	v4 =	vmul.f32 v5, v2;
	_ =	sdelay $0x1  }
0xa1: {  	v3 =	vadd.f32 v4, v3;
	_ =	sdelay $0x1  }
0xa2: {  	[tilespmem:s29+$0x0] =	vst v3  }
0xa3: {  	v3 =	vld [tilespmem:s24+$0x10]  }
0xa4: {  	v4 =	vld [tilespmem:s23+$0x10]  }
0xa5: {  	v5 =	vld [tilespmem:s28+$0x10];
	_ =	sdelay $0x3  }
0xa6: {  	v3 =	vmul.f32 v3, v0;
	v4 =	vmul.f32 v4, v1;
	_ =	sdelay $0x1  }
0xa7: {  	v3 =	vadd.f32 v4, v3;
	v4 =	vmul.f32 v5, v2;
	_ =	sdelay $0x1  }
0xa8: {  	v3 =	vadd.f32 v4, v3;
	_ =	sdelay $0x1  }
0xa9: {  	[tilespmem:s29+$0x10] =	vst v3  }
0xaa: {  	v3 =	vld [tilespmem:s24+$0x20]  }
0xab: {  	v4 =	vld [tilespmem:s23+$0x20]  }
0xac: {  	v5 =	vld [tilespmem:s28+$0x20];
	_ =	sdelay $0x3  }
0xad: {  	v3 =	vmul.f32 v3, v0;
	v4 =	vmul.f32 v4, v1;
	_ =	sdelay $0x1  }
0xae: {  	v3 =	vadd.f32 v4, v3;
	v4 =	vmul.f32 v5, v2;
	_ =	sdelay $0x1  }
0xaf: {  	v3 =	vadd.f32 v4, v3;
	_ =	sdelay $0x1  }
.Ltmp0:
0xb0: {  	[tilespmem:s29+$0x20] =	vst v3;
	(pc) =	sbr.rel @p0 .LBB2_3-.Ltmp0, $4  }
0xb1: {  	v3 =	vld [tilespmem:s24+$0x30]  }
0xb2: {  	v4 =	vld [tilespmem:s23+$0x30]  }
0xb3: {  	v5 =	vld [tilespmem:s28+$0x30]  }
0xb4: {  	s29 =	sadd.s32 $0x80, s29;
	s28 =	sadd.s32 $0x80, s28  }
0xb5: {  	_ =	sdelay $0x1  }
0xb6: {  	v3 =	vmul.f32 v3, v0;
	v4 =	vmul.f32 v4, v1;
	_ =	sdelay $0x1  }
0xb7: {  	v5 =	vmul.f32 v5, v2;
	v3 =	vadd.f32 v4, v3;
	_ =	sdelay $0x1  }
0xb8: {  	s21 =	sadd.s32 $0x1, s21;
	v3 =	vadd.f32 v5, v3  }
0xb9: {  	s22 =	sshll.u32 s22, $0x1;
	p0 =	sne.s32 s21, $0x19  }
.Ltmp1:
0xba: {  	s22 =	sadd.s32 s1, s22;
	[tilespmem:s25+$0x30] =	vst v3;
	(pc) =	sbr.rel @p0 .LBB2_2-.Ltmp1, $4  }
0xbb: {  	[hbm4b:s22+s2] =	stream.linear.scatter [tilespmem:s19], [sflag:$0x4], $0x4000, $0x38;
	[tilespmem:$0x10430] =	vst v63  }
0xbc: {  	_ =	swait.ge [sflag:s12], $0x4000  }
0xbd: {  	[sflag:s12] =	ssyncset.done $0x0  }
0xbe: {  	[sflag:s12] =	ssyncadd.s32 $0xFFFFC000  }
0xbf: {  	s20 =	sadd.s32 $0x1, s20  }
0xc0: {  	p0 =	sne.s32 s20, s10  }
.Ltmp2:
0xc1: {  	_ = 	snop;
	(pc) =	sbr.rel @p0 .LBB2_1-.Ltmp2, $1  }
0xc2: {  	_ =	sdelay $0x3  }
0xc3: {  	_ =	sfence.sel $0x180000  }
0xc4: {  	[bflag:$0x0] =	sbarrier.arrive $0xFFFF  }
0xc5: {  	p0 =	sne.s32 s3, $0x0;
	_ =	strace $0x90000047  }
0xc6: {  	s0 =	sadd.s32 @!p0 $0x100000, s0;
	[bflag:$0x2] =	sbarrier.arrive $0xFFFF  }
0xc7: {  	[sflag:s0] =	ssyncadd.tile.s32 @!p0 $0x1;
	_ =	shalt  }
.Lfunc_end2:
_tile_overlayer_lowered:
.L_overlay_start_2:
0xc8: {  	(tag) =	ssettag $0x2  }
0xc9: {  	s0 =	rddreg [dreg:$0x0];
	s2 =	stileid.u32  }
0xca: {  	s1 =	rddreg [dreg:$0x1];
	p0 =	sne.s32 s2, $0x0  }
0xcb: {  	s3 =	rddreg [dreg:$0x2];
	[bflag:$0x3] =	sbarrier.arrive $0xFFFF;
	s2 =	simm.s32 @!p0 $0x1C04  }
0xcc: {  	[timem:s3], [sflag:s2] =	dma.local @!p0 [hbm:s0], s1  }
0xcd: {  	s0 =	simm.s32 @!p0 $0x4  }
0xce: {  	_ =	swait.ge @!p0 [sflag:s0], s1  }
0xcf: {  	s1 =	ssub.s32 @!p0 $0x0, s1;
	[sflag:s0] =	ssyncset.done @!p0 $0x0  }
0xd0: {  	[sflag:s0] =	ssyncadd.s32 @!p0 s1  }
0xd1: {  	[bflag:$0x3] =	sbarrier.arrive $0xFFFF  }
0xd2: {  	_ =	shalt  }

// kernel: sparse-core-data-format-call.cloned.1.call-start
scs
called_computation_lowered:
.L_overlay_start_0:
0x0: {  	s2 =	sld [smem:$0x3FD9]  }
0x1: {  	s3 =	sld [smem:$0x3FFE];
	_ =	sdelay $0x1  }
0x2: {  	s1 =	srdreg.scid  }
0x3: {  	s0 =	sand.u32 $0x1, s1  }
0x4: {  	s18 =	sshll.u32 s0, $0xA;
	s2 =	sadd.s32 s3, s2  }
0x5: {  	s2 =	sadd.s32 s2, s18  }
0x6: {  	[smem:$0x3FC1] =	sst s2  }
0x7: {  	_ = 	snop  }
0x8: {  	s2 =	sld [smem:$0x3FD0];
	(tm) =	ssettm $0x1  }
0x9: {  	s19 =	sld [smem:$0x3FFB];
	_ =	sdelay $0x3  }
0xa: {  	_ =	strace s19  }
0xb: {  	s3 =	sld [smem:$0x3FFC];
	_ =	sdelay $0x3  }
0xc: {  	_ =	strace s3  }
0xd: {  	s3 =	sld [smem:$0x3FFD];
	_ =	sdelay $0x3  }
0xe: {  	_ =	strace s3  }
0xf: {  	_ =	strace $0x8FFFFFFF  }
0x10: {  	s20 =	sld [smem:$0x3FDB];
	_ =	sdelay $0x1  }
0x11: {  	s4 =	simm.s32 $_scs_section_size  }
0x12: {  	s5 =	simm.s32 $_size__tile_overlayer_lowered;
	s6 =	simm.s32 $_tile_overlayer_lowered  }
0x13: {  	s23 =	simm.s32 $0x1BFF;
	s22 =	sshll.u32 s6, $0x1;
	s3 =	sadd.s32 s4, s20  }
0x14: {  	s7 =	simm.s32 $0x0;
	s21 =	sshll.u32 s5, $0x1;
	s5 =	sadd.s32 s22, s3  }
0x15: {  	[timem:s7], [sflag:s23] =	dma.local [hbm:s5], s21  }
0x16: {  	_ =	swait.ge [sflag:s23], s21  }
0x17: {  	s4 =	ssub.s32 $0x0, s21;
	[sflag:s23] =	ssyncset.done $0x0  }
0x18: {  	[sflag:s23] =	ssyncadd.s32 s4;
	_ =	sdelay $0x1  }
0x19: {  	s24 =	simm.s32 $0x1B8B  }
0x1a: {  	_ =	swait.ge [sflag:s24], $0x1  }
0x1b: {  	[sflag:s24] =	ssyncset.done $0x0  }
0x1c: {  	s26 =	simm.s32 $0x1B8E;
	s25 =	sld [smem:$0x3FFE];
	[sflag:s24] =	ssyncadd.s32 $0xFFFFFFFF  }
0x1d: {  	s27 =	simm.s32 $execute0_lowered;
	[smem:$0x3FD2] =	sst s26  }
0x1e: {  	s5 =	sshll.u32 s27, $0x1;
	_ =	strace $0x80000049;
	[dreg:$0x1] =	wrdreg $0xFFFFFFFF  }
0x1f: {  	s28 =	simm.s32 $_size_execute0_lowered;
	s3 =	sadd.s32 s3, s5;
	[dreg:$0x0] =	wrdreg $0x0  }
0x20: {  	s5 =	sshll.u32 s28, $0x1;
	[dreg:$0x2] =	wrdreg s3  }
0x21: {  	[dreg:$0x3] =	wrdreg s5  }
0x22: {  	[dreg:$0x4] =	wrdreg $0xC0  }
0x23: {  	_ =	task [dreg:s7], $0x5FFFF  }
0x24: {  	[dreg:$0x1] =	wrdreg $0xFFFFFFFF  }
0x25: {  	[dreg:$0x0] =	wrdreg $0x60  }
0x26: {  	[dreg:$0x2] =	wrdreg s25  }
0x27: {  	[dreg:$0x3] =	wrdreg s2  }
0x28: {  	[dreg:$0x4] =	wrdreg $0x9  }
0x29: {  	_ =	task.clear_ibuf [dreg:s7], $0x5FFFF;
	_ =	strace $0x90000049  }
0x2a: {  	s29 =	simm.s32 $0x9;
	_ =	strace $0x8000004B  }
0x2b: {  	_ =	swait.ge [sflag:s29], $0x1  }
0x2c: {  	[sflag:s29] =	ssyncadd.s32 $0xFFFFFFFF  }
0x2d: {  	_ =	strace $0x9000004B  }
0x2e: {  	_ =	sfence  }
0x2f: {  	s30 =	sld [smem:$0x0];
	_ =	sdelay $0x2  }
0x30: {  	s31 =	sshll.u32 s1, $0xD;
	s1 =	sshrl.u32 s1, $0x2  }
0x31: {  	s3 =	sand.u32 $0x4000, s31;
	s1 =	sadd.s32 s1, s30  }
0x32: {  	s0 =	sor.u32 s3, s0;
	s1 =	sshll.u32 s1, $0x11  }
0x33: {  	s0 =	sor.u32 s1, s0  }
0x34: {  	s0 =	sadd.s32 $0x8F2B, s0  }
0x35: {  	[sflag:s0] =	ssyncadd.remote.s32 $0x1  }
0x36: {  	_ =	sfence.sel $0xFFFF  }
0x37: {  	[dreg:$0x0] =	wrdreg $0xFFFFFFFF;
	(pc) =	sbr.abs _section_cstart, $3  }
0x38: {  	[dreg:$0x1] =	wrdreg $0xFFFFFFFF  }
0x39: {  	_ =	task.clear_ibuf [dreg:s7], $0x2FFFF;
	_ =	strace $0x9FFFFFFF  }
0x3a: {  	(tm) =	ssettm $0x7FFFFFFF  }
0x3b: {  	_ =	shalt  }
tec
execute0_lowered:
.L_overlay_start_1:
0x0: {  	(tag) =	ssettag $0x1  }
0x1: {  	s0 =	srdreg.scid  }
0x2: {  	s1 =	sshll.u32 s0, $0x4  }
0x3: {  	s0 =	stileid.u32;
	s1 =	sand.u32 $0x10, s1  }
0x4: {  	s1 =	sor.u32 s0, s1  }
0x5: {  	s6 =	rddreg [dreg:$0x0];
	s4 =	simm.s32 $0x1;
	s2 =	sshll.u32 s1, $0x7  }
0x6: {  	s7 =	simm.s32 $0x2;
	s12 =	simm.s32 $0x0;
	s1 =	ssub.s32 $0x4000, s2  }
0x7: {  	s8 =	simm.s32 $0x20000;
	s13 =	simm.s32 $0x0;
	s3 =	sand.u32 $0xF80, s1  }
0x8: {  	s9 =	simm.s32 $0x0;
	s5 =	sshrl.u32 s1, $0xC;
	p0 =	sne.s32 s3, $0x0  }
.Ltmp0:
0x9: {  	s1 =	rddreg [dreg:$0x2];
	s4 =	simm.s32 @!p0 $0x0;
	(pc) =	sbr.rel .LBB1_1-.Ltmp0, $4  }
0xa: {  	s11 =	simm.s32 $0x0;
	s3 =	rddreg [dreg:$0x1];
	s5 =	sadd.s32 s4, s5  }
0xb: {  	_ =	strace $0x8000004A;
	s4 =	simm.s32 $0x1;
	s5 =	smul.u32 $0x32, s5  }
0xc: {  	s6 =	sadd.s32 $0x1200, s6;
	s10 =	smov.u32 s2;
	[sflag:s4] =	ssyncpa.u1 $0x0  }
0xd: {  	p0 =	por $0x0, $0x0;
	[sflag:s7] =	ssyncpa.u1 $0x0;
	s7 =	sor.u32 $0x1, s5  }
.LBB1_4:
0xe: {  	s16 =	sshll.u32 s13, $0x3;
	s17 =	sand.u32 $0x78, s13  }
0xf: {  	s30 =	sand.u32 $0x7800, s13;
	s12 =	sshll.u32 s12, $0xF;
	s16 =	sand.u32 $0x3C00, s16  }
0x10: {  	s31 =	sand.u32 $0x7, s13;
	s16 =	sor.u32 s17, s16;
	s17 =	sadd.s32 s3, s30  }
0x11: {  	s13 =	sshll.u32 s31, $0x12;
	s16 =	sshrl.u32 s16, $0x3;
	s12 =	sadd.s32 s12, s17  }
0x12: {  	[tilespmem:s15+$0x0 ss:$0x81] =	vst.msk $0xffff, v1;
	s13 =	sor.u32 $0x400, s13;
	s12 =	sadd.s32 s16, s12  }
0x13: {  	[hbm4b:s12+s13] =	stream.strided.scatter [tilespmem:s14], [sflag:$0x2], $0x800, s8, s13, $0x20;
	[tilespmem:$0x2020] =	vst v63  }
.LBB1_5:
0x14: {  	s14 =	sadd.s32 $0x1, s9  }
0x15: {  	s12 =	sadd.s32 $0x1000, s10;
	s16 =	smov.u32 s10;
	p2 =	sgt.s32 s14, $0x31  }
0x16: {  	s16 =	smov.u32 @p2 s12  }
0x17: {  	s14 =	simm.s32 @p2 $0x0;
	p2 =	sgt.s32 s16, $0x3FFF  }
0x18: {  	s16 =	smov.u32 @p2 s2;
	p2 =	sne.s32 s11, s7  }
.Ltmp1:
0x19: {  	p1 =	slt.u32 s11, $0x2;
	(pc) =	sbr.rel @!p2 .LBB1_6-.Ltmp1, $4  }
0x1a: {  	s15 =	simm.s32 @!p1 $0x2  }
0x1b: {  	s13 =	smov.u32 s10;
	p0 =	por !p0, !p0;
	_ =	swait.ge @!p1 [sflag:s15], $0x800  }
0x1c: {  	s12 =	smov.u32 s9;
	[sflag:s15] =	ssyncset.done @!p1 $0x0;
	s9 =	smov.u32 s14  }
0x1d: {  	s11 =	sadd.s32 $0x1, s11;
	[sflag:s15] =	ssyncadd.s32 @!p1 $0xFFFFF800;
	s10 =	smov.u32 s16  }
.LBB1_1:
0x1e: {  	p1 =	sge.u32 s11, s5  }
0x1f: {  	s14 =	sand.u32 @!p1 $0x1FFFFFF, s9  }
0x20: {  	s15 =	smulhi.u32 @!p1 $0x4924925, s14;
	_ =	sdelay $0x1  }
0x21: {  	s15 =	smul.u32 @!p1 $0x38, s15  }
0x22: {  	s16 =	sxor.u32 @!p1 $0xFFFFFFFF, s11;
	s17 =	smul.u32 @!p1 $0x380, s10  }
0x23: {  	s31 =	sadd.s32 $0xFFFFFFFF, s11;
	s16 =	sshll.u32 @!p1 s16, $0xB;
	s14 =	ssub.s32 @!p1 s14, s15  }
0x24: {  	s15 =	sand.u32 @!p1 $0x800, s16;
	s16 =	sadd.s32 @!p1 s6, s17;
	s14 =	sshll.u32 @!p1 s14, $0x4  }
0x25: {  	s17 =	simm.s32 @!p1 $0x1C00;
	s14 =	sadd.s32 @!p1 s14, s16;
	s16 =	simm.s32 @!p1 $0x10  }
0x26: {  	[tilespmem:s15], [sflag:$0x1] =	stream.strided.gather @!p1 [hbm4b:s14+s16], $0x800, s17, s16, $0x38;
	[tilespmem:$0x2020] =	vst v63  }
0x27: {  	p1 =	sge.u32 s31, s5  }
.Ltmp2:
0x28: {  	_ = 	snop;
	(pc) =	sbr.rel @p1 .LBB1_5-.Ltmp2, $1  }
0x29: {  	_ =	sdelay $0x3  }
0x2a: {  	s14 =	simm.s32 $0x1  }
0x2b: {  	s14 =	simm.s32 @!p0 $0x0  }
0x2c: {  	s15 =	sshll.u32 s14, $0xB  }
0x2d: {  	v0 =	vmov s15;
	_ =	sdelay $0x1  }
0x2e: {  	_ =	swait.ge [sflag:s4], $0x800  }
0x2f: {  	s31 =	sand.u32 $0x1, s11;
	[sflag:s4] =	ssyncset.done $0x0  }
0x30: {  	s17 =	simm.s32 $0x0;
	s14 =	smul.u32 $0x2040, s14;
	[sflag:s4] =	ssyncadd.s32 $0xFFFFF800  }
0x31: {  	s15 =	smul.u32 $0x2040, s31;
	v1 =	vld.idx.msk [tilespmem:v0+s17+$0x0 ss:$0x1], $0xffff;
	_ =	sdelay $0x1  }
0x32: {  	s14 =	sshrl.u32 s14, $0x2;
	s16 =	sshrl.u32 s15, $0x2  }
0x33: {  	s15 =	sor.u32 $0x1000, s14;
	s14 =	sor.u32 $0x1000, s16;
	s16 =	simm.s32 $0x40  }
.LBB1_3:
0x34: {  	s17 =	sshra.s32 s16, $0x2;
	p1 =	sne.s32 s16, $0x1FC0;
	s16 =	sadd.s32 $0x40, s16  }
.Ltmp3:
0x35: {  	[tilespmem:s15+$0x0 ss:$0x81] =	vst.msk $0xffff, v1;
	v1 =	vld.idx.msk [tilespmem:v0+s17+$0x0 ss:$0x1], $0xffff;
	(pc) =	sbr.rel @p1 .LBB1_3-.Ltmp3, $2  }
0x36: {  	_ =	sdelay $0x2  }
0x37: {  	s15 =	sadd.s32 $0x1, s15  }
.Ltmp4:
0x38: {  	_ = 	snop;
	(pc) =	sbr.rel .LBB1_4-.Ltmp4, $1  }
0x39: {  	_ =	sdelay $0x3  }
.LBB1_6:
0x3a: {  	_ =	sfence.sel $0x180000  }
0x3b: {  	s2 =	simm.s32 $0x1;
	[bflag:$0x0] =	sbarrier.arrive $0xFFFF  }
0x3c: {  	s31 =	simm.s32 $0x2;
	[sflag:s2] =	ssyncpa.u1 $0x1  }
0x3d: {  	[sflag:s31] =	ssyncpa.u1 $0x1  }
0x3e: {  	p0 =	sne.s32 s0, $0x0;
	_ =	strace $0x9000004A  }
0x3f: {  	s0 =	sadd.s32 @!p0 $0x100000, s1;
	[bflag:$0x2] =	sbarrier.arrive $0xFFFF  }
0x40: {  	[sflag:s0] =	ssyncadd.tile.s32 @!p0 $0x1;
	_ =	shalt  }
.Lfunc_end1:
_tile_overlayer_lowered:
.L_overlay_start_2:
0x41: {  	(tag) =	ssettag $0x2  }
0x42: {  	s0 =	rddreg [dreg:$0x0];
	s2 =	stileid.u32  }
0x43: {  	s1 =	rddreg [dreg:$0x1];
	p0 =	sne.s32 s2, $0x0  }
0x44: {  	s3 =	rddreg [dreg:$0x2];
	[bflag:$0x3] =	sbarrier.arrive $0xFFFF;
	s2 =	simm.s32 @!p0 $0x1C01  }
0x45: {  	[timem:s3], [sflag:s2] =	dma.local @!p0 [hbm:s0], s1  }
0x46: {  	s0 =	simm.s32 @!p0 $0x1  }
0x47: {  	_ =	swait.ge @!p0 [sflag:s0], s1  }
0x48: {  	s1 =	ssub.s32 @!p0 $0x0, s1;
	[sflag:s0] =	ssyncset.done @!p0 $0x0  }
0x49: {  	[sflag:s0] =	ssyncadd.s32 @!p0 s1  }
0x4a: {  	[bflag:$0x3] =	sbarrier.arrive $0xFFFF  }
0x4b: {  	_ =	shalt  }

</sc_bundles>
